<compile_context>
chip_gen: v7x
topology: tpu7x:2x2x1
jax: 0.10.2.dev20260603
libtpu: 0.0.44.dev20260713+nightly
codegen_flags: <defaults>
</compile_context>

<pallas_src>
import functools

import jax
import jax.numpy as jnp
from jax import lax
from jax.experimental import pallas as pl
from jax.experimental.pallas import tpu as pltpu
from jax.experimental.pallas import tpu_sc as plsc

_LANES = 16
_CL = 8
_NSETS = 2
_NW = 32
_LS = 512
_BL = 256


def _sc_part(x, add_table, mult_table, ls):
    B, L, D = x.shape
    RW = ls // _NW
    JC = RW // _CL
    mesh = plsc.VectorSubcoreMesh(core_axis_name="core",
                                  subcore_axis_name="subcore")

    scratch = (
        [pltpu.VMEM((_CL, D), jnp.float32) for _ in range(_NSETS * B)]
        + [pltpu.VMEM((_CL, D), jnp.float32) for _ in range(2 * _NSETS)]
        + [pltpu.SemaphoreType.DMA] * (_NSETS * B)
        + [pltpu.SemaphoreType.DMA] * (2 * _NSETS)
        + [pltpu.SemaphoreType.DMA] * (_NSETS * B)
    )

    @functools.partial(
        pl.kernel,
        out_type=jax.ShapeDtypeStruct((B, ls, D), x.dtype),
        mesh=mesh,
        scratch_types=scratch,
    )
    def run(x_hbm, add_hbm, mult_hbm, o_hbm, *s):
        nxb = _NSETS * B
        ntb = 2 * _NSETS
        xb = s[0:nxb]
        tb = s[nxb:nxb + ntb]
        sx = s[nxb + ntb:2 * nxb + ntb]
        st = s[2 * nxb + ntb:2 * nxb + 2 * ntb]
        so = s[2 * nxb + 2 * ntb:3 * nxb + 2 * ntb]
        wid = lax.axis_index("subcore") * 2 + lax.axis_index("core")
        l0 = wid * RW

        def start_in(j, ss):
            ls_ = pl.ds(l0 + j * _CL, _CL)
            cs = [pltpu.async_copy(x_hbm.at[b, ls_], xb[ss * B + b],
                                   sx[ss * B + b]) for b in range(B)]
            cs.append(pltpu.async_copy(add_hbm.at[ls_], tb[ss * 2 + 0],
                                       st[ss * 2 + 0]))
            cs.append(pltpu.async_copy(mult_hbm.at[ls_], tb[ss * 2 + 1],
                                       st[ss * 2 + 1]))
            return cs

        def start_out(j, ss):
            ls_ = pl.ds(l0 + j * _CL, _CL)
            return [pltpu.async_copy(xb[ss * B + b], o_hbm.at[b, ls_],
                                     so[ss * B + b]) for b in range(B)]

        ins = {}
        outs = {}
        for t in range(min(_NSETS - 1, JC)):
            ins[t] = start_in(t, t % _NSETS)
        for j in range(JC):
            t = j + _NSETS - 1
            if t < JC:
                if j - 1 >= 0:
                    for c in outs[j - 1]:
                        c.wait()
                ins[t] = start_in(t, t % _NSETS)
            ss = j % _NSETS
            for c in ins[j]:
                c.wait()

            @pl.loop(0, _CL)
            def _row(r, ss=ss):
                @pl.loop(0, D, step=_LANES, unroll=2)
                def _col(c, r=r, ss=ss):
                    sl = pl.ds(c, _LANES)
                    a = tb[ss * 2 + 0][r, sl]
                    m = tb[ss * 2 + 1][r, sl]
                    for b in range(B):
                        xb[ss * B + b][r, sl] = xb[ss * B + b][r, sl] * m + a

            outs[j] = start_out(j, ss)
        for j in range(max(0, JC - _NSETS), JC):
            for c in outs[j]:
                c.wait()

    return run(x, add_table, mult_table)


def _tc_part(x, add_table, mult_table, ls):
    B, L, D = x.shape
    nb = ls // _BL

    def body(x_ref, add_ref, mult_ref, o_ref):
        o_ref[...] = x_ref[...] * mult_ref[...][None] + add_ref[...][None]

    grid = ((L - ls) // _BL, B)
    return pl.pallas_call(
        body,
        grid=grid,
        in_specs=[
            pl.BlockSpec((1, _BL, D), lambda i, b: (b, i + nb, 0)),
            pl.BlockSpec((_BL, D), lambda i, b: (i + nb, 0)),
            pl.BlockSpec((_BL, D), lambda i, b: (i + nb, 0)),
        ],
        out_specs=pl.BlockSpec((1, _BL, D), lambda i, b: (b, i + nb, 0)),
        out_shape=jax.ShapeDtypeStruct((B, L, D), x.dtype),
        compiler_params=pltpu.CompilerParams(
            dimension_semantics=("arbitrary", "arbitrary"),
        ),
    )(x, add_table, mult_table)


def kernel(x, add_table, mult_table):
    sc_out = _sc_part(x, add_table, mult_table, _LS)
    tc_full = _tc_part(x, add_table, mult_table, _LS)
    return lax.dynamic_update_slice(tc_full, sc_out, (0, 0, 0))

# --- scband reference (transcript-rebuilt; emitter-appended) ---
"""Pipeline reference for scband-complex-learnable-pos-embedding-12489764896816 (READ-ONLY COPY).

The authoritative reference and input builder live on the scoring server;
editing this copy changes nothing except your own understanding.
"""

import jax, jax.numpy as jnp
import numpy as np

D_MODEL = 1024
MAX_LEN = 2048
BATCH = 4
SEQ = 2048

def setup_inputs(seed: int = 0) -> dict:
    key = jax.random.key(seed)
    k1, k2, k3 = jax.random.split(key, 3)
    x = jax.random.normal(k1, (BATCH, SEQ, D_MODEL), dtype=jnp.float32)
    add_table = jax.random.normal(k2, (MAX_LEN, D_MODEL), dtype=jnp.float32) * 0.02
    mult_table = jax.random.normal(k3, (MAX_LEN, D_MODEL), dtype=jnp.float32) * 0.02
    return {"x": x, "add_table": add_table, "mult_table": mult_table}

def reference(x, add_table, mult_table):
    B, L, D = x.shape
    position_ids = jnp.broadcast_to(jnp.arange(L)[None, :], (B, L))
    add_pe = jnp.take(add_table, position_ids, axis=0)   # [B, L, D]
    mult_pe = jnp.take(mult_table, position_ids, axis=0)  # [B, L, D]
    return x * mult_pe + add_pe

if __name__ == "__main__":
    import jax
    _d = setup_inputs()
    print(jax.jit(kernel)(*tuple(_d.values())))

</pallas_src>

<mosaic_0001>
#map = affine_map<(d0, d1) -> (0, 0, 0)>
#map1 = affine_map<(d0, d1) -> (0, 0)>
module attributes {stable_mosaic.version = 14 : i64} {
  func.func @run(%arg0: i32, %arg1: i32, %arg2: memref<4x2048x1024xf32, #tpu.memory_space<hbm>>, %arg3: memref<2048x1024xf32, #tpu.memory_space<hbm>>, %arg4: memref<2048x1024xf32, #tpu.memory_space<hbm>>, %arg5: memref<4x512x1024xf32, #tpu.memory_space<hbm>>, %arg6: memref<8x1024xf32, #tpu.memory_space<vmem>>, %arg7: memref<8x1024xf32, #tpu.memory_space<vmem>>, %arg8: memref<8x1024xf32, #tpu.memory_space<vmem>>, %arg9: memref<8x1024xf32, #tpu.memory_space<vmem>>, %arg10: memref<8x1024xf32, #tpu.memory_space<vmem>>, %arg11: memref<8x1024xf32, #tpu.memory_space<vmem>>, %arg12: memref<8x1024xf32, #tpu.memory_space<vmem>>, %arg13: memref<8x1024xf32, #tpu.memory_space<vmem>>, %arg14: memref<8x1024xf32, #tpu.memory_space<vmem>>, %arg15: memref<8x1024xf32, #tpu.memory_space<vmem>>, %arg16: memref<8x1024xf32, #tpu.memory_space<vmem>>, %arg17: memref<8x1024xf32, #tpu.memory_space<vmem>>, %arg18: memref<!tpu.dma_semaphore, #tpu.memory_space<semaphore_mem>>, %arg19: memref<!tpu.dma_semaphore, #tpu.memory_space<semaphore_mem>>, %arg20: memref<!tpu.dma_semaphore, #tpu.memory_space<semaphore_mem>>, %arg21: memref<!tpu.dma_semaphore, #tpu.memory_space<semaphore_mem>>, %arg22: memref<!tpu.dma_semaphore, #tpu.memory_space<semaphore_mem>>, %arg23: memref<!tpu.dma_semaphore, #tpu.memory_space<semaphore_mem>>, %arg24: memref<!tpu.dma_semaphore, #tpu.memory_space<semaphore_mem>>, %arg25: memref<!tpu.dma_semaphore, #tpu.memory_space<semaphore_mem>>, %arg26: memref<!tpu.dma_semaphore, #tpu.memory_space<semaphore_mem>>, %arg27: memref<!tpu.dma_semaphore, #tpu.memory_space<semaphore_mem>>, %arg28: memref<!tpu.dma_semaphore, #tpu.memory_space<semaphore_mem>>, %arg29: memref<!tpu.dma_semaphore, #tpu.memory_space<semaphore_mem>>, %arg30: memref<!tpu.dma_semaphore, #tpu.memory_space<semaphore_mem>>, %arg31: memref<!tpu.dma_semaphore, #tpu.memory_space<semaphore_mem>>, %arg32: memref<!tpu.dma_semaphore, #tpu.memory_space<semaphore_mem>>, %arg33: memref<!tpu.dma_semaphore, #tpu.memory_space<semaphore_mem>>, %arg34: memref<!tpu.dma_semaphore, #tpu.memory_space<semaphore_mem>>, %arg35: memref<!tpu.dma_semaphore, #tpu.memory_space<semaphore_mem>>, %arg36: memref<!tpu.dma_semaphore, #tpu.memory_space<semaphore_mem>>, %arg37: memref<!tpu.dma_semaphore, #tpu.memory_space<semaphore_mem>>) attributes {dimension_semantics = [#tpu.dimension_semantics<core_parallel>, #tpu.dimension_semantics<subcore_parallel>], iteration_bounds = array<i64: 2, 16>, scalar_prefetch = 0 : i64, scratch_operands = 32 : i64, tpu.core_type = #tpu.core_type<sc_vector_subcore>, window_params = [{transform_indices = #map}, {transform_indices = #map1}, {transform_indices = #map1}, {transform_indices = #map}]} {
    %mul3A = arith.constant 2 : i32
    %mul3A_0 = arith.muli %arg1, %mul3A : i32
    %add3A = arith.addi %mul3A_0, %arg0 : i32
    %mul3A_1 = arith.constant 16 : i32
    %mul3A_2 = arith.muli %add3A, %mul3A_1 : i32
    %add3A_3 = arith.constant 0 : i32
    %add3A_4 = arith.addi %mul3A_2, %add3A_3 : i32
    %dma_start3A = arith.constant 0 : i32
    %dma_start3A_5 = arith.constant 0 : i32
    %dma_start3A_6 = tpu.memref_slice %arg2[%dma_start3A, %add3A_4, %dma_start3A_5] : memref<4x2048x1024xf32, #tpu.memory_space<hbm>> -> memref<1x8x1024xf32, #tpu.memory_space<hbm>>
    %dma_start3A_7 = tpu.memref_squeeze %dma_start3A_6 : memref<1x8x1024xf32, #tpu.memory_space<hbm>> -> memref<8x1024xf32, #tpu.memory_space<hbm>>
    %dma_start3A_8 = arith.constant 0 : i32
    %dma_start3A_9 = tpu.memref_slice %arg2[%dma_start3A, %add3A_4, %dma_start3A_8] : memref<4x2048x1024xf32, #tpu.memory_space<hbm>> -> memref<1x8x1024xf32, #tpu.memory_space<hbm>>
    %dma_start3A_10 = tpu.memref_squeeze %dma_start3A_9 : memref<1x8x1024xf32, #tpu.memory_space<hbm>> -> memref<8x1024xf32, #tpu.memory_space<hbm>>
    tpu.enqueue_dma source(%dma_start3A_10 : memref<8x1024xf32, #tpu.memory_space<hbm>>) target(%arg6 : memref<8x1024xf32, #tpu.memory_space<vmem>>) target_semaphore(%arg18 : memref<!tpu.dma_semaphore, #tpu.memory_space<semaphore_mem>>)
    %dma_start3A_11 = arith.constant 1 : i32
    %dma_start3A_12 = arith.constant 0 : i32
    %dma_start3A_13 = tpu.memref_slice %arg2[%dma_start3A_11, %add3A_4, %dma_start3A_12] : memref<4x2048x1024xf32, #tpu.memory_space<hbm>> -> memref<1x8x1024xf32, #tpu.memory_space<hbm>>
    %dma_start3A_14 = tpu.memref_squeeze %dma_start3A_13 : memref<1x8x1024xf32, #tpu.memory_space<hbm>> -> memref<8x1024xf32, #tpu.memory_space<hbm>>
    %dma_start3A_15 = arith.constant 0 : i32
    %dma_start3A_16 = tpu.memref_slice %arg2[%dma_start3A_11, %add3A_4, %dma_start3A_15] : memref<4x2048x1024xf32, #tpu.memory_space<hbm>> -> memref<1x8x1024xf32, #tpu.memory_space<hbm>>
    %dma_start3A_17 = tpu.memref_squeeze %dma_start3A_16 : memref<1x8x1024xf32, #tpu.memory_space<hbm>> -> memref<8x1024xf32, #tpu.memory_space<hbm>>
    tpu.enqueue_dma source(%dma_start3A_17 : memref<8x1024xf32, #tpu.memory_space<hbm>>) target(%arg7 : memref<8x1024xf32, #tpu.memory_space<vmem>>) target_semaphore(%arg19 : memref<!tpu.dma_semaphore, #tpu.memory_space<semaphore_mem>>)
    %dma_start3A_18 = arith.constant 2 : i32
    %dma_start3A_19 = arith.constant 0 : i32
    %dma_start3A_20 = tpu.memref_slice %arg2[%dma_start3A_18, %add3A_4, %dma_start3A_19] : memref<4x2048x1024xf32, #tpu.memory_space<hbm>> -> memref<1x8x1024xf32, #tpu.memory_space<hbm>>
    %dma_start3A_21 = tpu.memref_squeeze %dma_start3A_20 : memref<1x8x1024xf32, #tpu.memory_space<hbm>> -> memref<8x1024xf32, #tpu.memory_space<hbm>>
    %dma_start3A_22 = arith.constant 0 : i32
    %dma_start3A_23 = tpu.memref_slice %arg2[%dma_start3A_18, %add3A_4, %dma_start3A_22] : memref<4x2048x1024xf32, #tpu.memory_space<hbm>> -> memref<1x8x1024xf32, #tpu.memory_space<hbm>>
    %dma_start3A_24 = tpu.memref_squeeze %dma_start3A_23 : memref<1x8x1024xf32, #tpu.memory_space<hbm>> -> memref<8x1024xf32, #tpu.memory_space<hbm>>
    tpu.enqueue_dma source(%dma_start3A_24 : memref<8x1024xf32, #tpu.memory_space<hbm>>) target(%arg8 : memref<8x1024xf32, #tpu.memory_space<vmem>>) target_semaphore(%arg20 : memref<!tpu.dma_semaphore, #tpu.memory_space<semaphore_mem>>)
    %dma_start3A_25 = arith.constant 3 : i32
    %dma_start3A_26 = arith.constant 0 : i32
    %dma_start3A_27 = tpu.memref_slice %arg2[%dma_start3A_25, %add3A_4, %dma_start3A_26] : memref<4x2048x1024xf32, #tpu.memory_space<hbm>> -> memref<1x8x1024xf32, #tpu.memory_space<hbm>>
    %dma_start3A_28 = tpu.memref_squeeze %dma_start3A_27 : memref<1x8x1024xf32, #tpu.memory_space<hbm>> -> memref<8x1024xf32, #tpu.memory_space<hbm>>
    %dma_start3A_29 = arith.constant 0 : i32
    %dma_start3A_30 = tpu.memref_slice %arg2[%dma_start3A_25, %add3A_4, %dma_start3A_29] : memref<4x2048x1024xf32, #tpu.memory_space<hbm>> -> memref<1x8x1024xf32, #tpu.memory_space<hbm>>
    %dma_start3A_31 = tpu.memref_squeeze %dma_start3A_30 : memref<1x8x1024xf32, #tpu.memory_space<hbm>> -> memref<8x1024xf32, #tpu.memory_space<hbm>>
    tpu.enqueue_dma source(%dma_start3A_31 : memref<8x1024xf32, #tpu.memory_space<hbm>>) target(%arg9 : memref<8x1024xf32, #tpu.memory_space<vmem>>) target_semaphore(%arg21 : memref<!tpu.dma_semaphore, #tpu.memory_space<semaphore_mem>>)
    %dma_start3A_32 = arith.constant 0 : i32
    %dma_start3A_33 = tpu.memref_slice %arg3[%add3A_4, %dma_start3A_32] : memref<2048x1024xf32, #tpu.memory_space<hbm>> -> memref<8x1024xf32, #tpu.memory_space<hbm>>
    %dma_start3A_34 = arith.constant 0 : i32
    %dma_start3A_35 = tpu.memref_slice %arg3[%add3A_4, %dma_start3A_34] : memref<2048x1024xf32, #tpu.memory_space<hbm>> -> memref<8x1024xf32, #tpu.memory_space<hbm>>
    tpu.enqueue_dma source(%dma_start3A_35 : memref<8x1024xf32, #tpu.memory_space<hbm>>) target(%arg14 : memref<8x1024xf32, #tpu.memory_space<vmem>>) target_semaphore(%arg26 : memref<!tpu.dma_semaphore, #tpu.memory_space<semaphore_mem>>)
    %dma_start3A_36 = arith.constant 0 : i32
    %dma_start3A_37 = tpu.memref_slice %arg4[%add3A_4, %dma_start3A_36] : memref<2048x1024xf32, #tpu.memory_space<hbm>> -> memref<8x1024xf32, #tpu.memory_space<hbm>>
    %dma_start3A_38 = arith.constant 0 : i32
    %dma_start3A_39 = tpu.memref_slice %arg4[%add3A_4, %dma_start3A_38] : memref<2048x1024xf32, #tpu.memory_space<hbm>> -> memref<8x1024xf32, #tpu.memory_space<hbm>>
    tpu.enqueue_dma source(%dma_start3A_39 : memref<8x1024xf32, #tpu.memory_space<hbm>>) target(%arg15 : memref<8x1024xf32, #tpu.memory_space<vmem>>) target_semaphore(%arg27 : memref<!tpu.dma_semaphore, #tpu.memory_space<semaphore_mem>>)
    %add3A_40 = arith.constant 8 : i32
    %add3A_41 = arith.addi %mul3A_2, %add3A_40 : i32
    %dma_start3A_42 = arith.constant 0 : i32
    %dma_start3A_43 = arith.constant 0 : i32
    %dma_start3A_44 = tpu.memref_slice %arg2[%dma_start3A_42, %add3A_41, %dma_start3A_43] : memref<4x2048x1024xf32, #tpu.memory_space<hbm>> -> memref<1x8x1024xf32, #tpu.memory_space<hbm>>
    %dma_start3A_45 = tpu.memref_squeeze %dma_start3A_44 : memref<1x8x1024xf32, #tpu.memory_space<hbm>> -> memref<8x1024xf32, #tpu.memory_space<hbm>>
    %dma_start3A_46 = arith.constant 0 : i32
    %dma_start3A_47 = tpu.memref_slice %arg2[%dma_start3A_42, %add3A_41, %dma_start3A_46] : memref<4x2048x1024xf32, #tpu.memory_space<hbm>> -> memref<1x8x1024xf32, #tpu.memory_space<hbm>>
    %dma_start3A_48 = tpu.memref_squeeze %dma_start3A_47 : memref<1x8x1024xf32, #tpu.memory_space<hbm>> -> memref<8x1024xf32, #tpu.memory_space<hbm>>
    tpu.enqueue_dma source(%dma_start3A_48 : memref<8x1024xf32, #tpu.memory_space<hbm>>) target(%arg10 : memref<8x1024xf32, #tpu.memory_space<vmem>>) target_semaphore(%arg22 : memref<!tpu.dma_semaphore, #tpu.memory_space<semaphore_mem>>)
    %dma_start3A_49 = arith.constant 1 : i32
    %dma_start3A_50 = arith.constant 0 : i32
    %dma_start3A_51 = tpu.memref_slice %arg2[%dma_start3A_49, %add3A_41, %dma_start3A_50] : memref<4x2048x1024xf32, #tpu.memory_space<hbm>> -> memref<1x8x1024xf32, #tpu.memory_space<hbm>>
    %dma_start3A_52 = tpu.memref_squeeze %dma_start3A_51 : memref<1x8x1024xf32, #tpu.memory_space<hbm>> -> memref<8x1024xf32, #tpu.memory_space<hbm>>
    %dma_start3A_53 = arith.constant 0 : i32
    %dma_start3A_54 = tpu.memref_slice %arg2[%dma_start3A_49, %add3A_41, %dma_start3A_53] : memref<4x2048x1024xf32, #tpu.memory_space<hbm>> -> memref<1x8x1024xf32, #tpu.memory_space<hbm>>
    %dma_start3A_55 = tpu.memref_squeeze %dma_start3A_54 : memref<1x8x1024xf32, #tpu.memory_space<hbm>> -> memref<8x1024xf32, #tpu.memory_space<hbm>>
    tpu.enqueue_dma source(%dma_start3A_55 : memref<8x1024xf32, #tpu.memory_space<hbm>>) target(%arg11 : memref<8x1024xf32, #tpu.memory_space<vmem>>) target_semaphore(%arg23 : memref<!tpu.dma_semaphore, #tpu.memory_space<semaphore_mem>>)
    %dma_start3A_56 = arith.constant 2 : i32
    %dma_start3A_57 = arith.constant 0 : i32
    %dma_start3A_58 = tpu.memref_slice %arg2[%dma_start3A_56, %add3A_41, %dma_start3A_57] : memref<4x2048x1024xf32, #tpu.memory_space<hbm>> -> memref<1x8x1024xf32, #tpu.memory_space<hbm>>
    %dma_start3A_59 = tpu.memref_squeeze %dma_start3A_58 : memref<1x8x1024xf32, #tpu.memory_space<hbm>> -> memref<8x1024xf32, #tpu.memory_space<hbm>>
    %dma_start3A_60 = arith.constant 0 : i32
    %dma_start3A_61 = tpu.memref_slice %arg2[%dma_start3A_56, %add3A_41, %dma_start3A_60] : memref<4x2048x1024xf32, #tpu.memory_space<hbm>> -> memref<1x8x1024xf32, #tpu.memory_space<hbm>>
    %dma_start3A_62 = tpu.memref_squeeze %dma_start3A_61 : memref<1x8x1024xf32, #tpu.memory_space<hbm>> -> memref<8x1024xf32, #tpu.memory_space<hbm>>
    tpu.enqueue_dma source(%dma_start3A_62 : memref<8x1024xf32, #tpu.memory_space<hbm>>) target(%arg12 : memref<8x1024xf32, #tpu.memory_space<vmem>>) target_semaphore(%arg24 : memref<!tpu.dma_semaphore, #tpu.memory_space<semaphore_mem>>)
    %dma_start3A_63 = arith.constant 3 : i32
    %dma_start3A_64 = arith.constant 0 : i32
    %dma_start3A_65 = tpu.memref_slice %arg2[%dma_start3A_63, %add3A_41, %dma_start3A_64] : memref<4x2048x1024xf32, #tpu.memory_space<hbm>> -> memref<1x8x1024xf32, #tpu.memory_space<hbm>>
    %dma_start3A_66 = tpu.memref_squeeze %dma_start3A_65 : memref<1x8x1024xf32, #tpu.memory_space<hbm>> -> memref<8x1024xf32, #tpu.memory_space<hbm>>
    %dma_start3A_67 = arith.constant 0 : i32
    %dma_start3A_68 = tpu.memref_slice %arg2[%dma_start3A_63, %add3A_41, %dma_start3A_67] : memref<4x2048x1024xf32, #tpu.memory_space<hbm>> -> memref<1x8x1024xf32, #tpu.memory_space<hbm>>
    %dma_start3A_69 = tpu.memref_squeeze %dma_start3A_68 : memref<1x8x1024xf32, #tpu.memory_space<hbm>> -> memref<8x1024xf32, #tpu.memory_space<hbm>>
    tpu.enqueue_dma source(%dma_start3A_69 : memref<8x1024xf32, #tpu.memory_space<hbm>>) target(%arg13 : memref<8x1024xf32, #tpu.memory_space<vmem>>) target_semaphore(%arg25 : memref<!tpu.dma_semaphore, #tpu.memory_space<semaphore_mem>>)
    %dma_start3A_70 = arith.constant 0 : i32
    %dma_start3A_71 = tpu.memref_slice %arg3[%add3A_41, %dma_start3A_70] : memref<2048x1024xf32, #tpu.memory_space<hbm>> -> memref<8x1024xf32, #tpu.memory_space<hbm>>
    %dma_start3A_72 = arith.constant 0 : i32
    %dma_start3A_73 = tpu.memref_slice %arg3[%add3A_41, %dma_start3A_72] : memref<2048x1024xf32, #tpu.memory_space<hbm>> -> memref<8x1024xf32, #tpu.memory_space<hbm>>
    tpu.enqueue_dma source(%dma_start3A_73 : memref<8x1024xf32, #tpu.memory_space<hbm>>) target(%arg16 : memref<8x1024xf32, #tpu.memory_space<vmem>>) target_semaphore(%arg28 : memref<!tpu.dma_semaphore, #tpu.memory_space<semaphore_mem>>)
    %dma_start3A_74 = arith.constant 0 : i32
    %dma_start3A_75 = tpu.memref_slice %arg4[%add3A_41, %dma_start3A_74] : memref<2048x1024xf32, #tpu.memory_space<hbm>> -> memref<8x1024xf32, #tpu.memory_space<hbm>>
    %dma_start3A_76 = arith.constant 0 : i32
    %dma_start3A_77 = tpu.memref_slice %arg4[%add3A_41, %dma_start3A_76] : memref<2048x1024xf32, #tpu.memory_space<hbm>> -> memref<8x1024xf32, #tpu.memory_space<hbm>>
    tpu.enqueue_dma source(%dma_start3A_77 : memref<8x1024xf32, #tpu.memory_space<hbm>>) target(%arg17 : memref<8x1024xf32, #tpu.memory_space<vmem>>) target_semaphore(%arg29 : memref<!tpu.dma_semaphore, #tpu.memory_space<semaphore_mem>>)
    %dma_wait3A = arith.constant 0 : i32
    %dma_wait3A_78 = arith.constant 0 : i32
    %dma_wait3A_79 = tpu.memref_slice %arg2[%dma_wait3A, %add3A_4, %dma_wait3A_78] : memref<4x2048x1024xf32, #tpu.memory_space<hbm>> -> memref<1x8x1024xf32, #tpu.memory_space<hbm>>
    %dma_wait3A_80 = tpu.memref_squeeze %dma_wait3A_79 : memref<1x8x1024xf32, #tpu.memory_space<hbm>> -> memref<8x1024xf32, #tpu.memory_space<hbm>>
    %dma_wait3A_81 = arith.constant 0 : i32
    %dma_wait3A_82 = tpu.memref_slice %arg2[%dma_wait3A, %add3A_4, %dma_wait3A_81] : memref<4x2048x1024xf32, #tpu.memory_space<hbm>> -> memref<1x8x1024xf32, #tpu.memory_space<hbm>>
    %dma_wait3A_83 = tpu.memref_squeeze %dma_wait3A_82 : memref<1x8x1024xf32, #tpu.memory_space<hbm>> -> memref<8x1024xf32, #tpu.memory_space<hbm>>
    tpu.wait_dma2 semaphore(%arg18 : memref<!tpu.dma_semaphore, #tpu.memory_space<semaphore_mem>>) src(%dma_wait3A_83 : memref<8x1024xf32, #tpu.memory_space<hbm>>) dst(%arg6 : memref<8x1024xf32, #tpu.memory_space<vmem>>)
    %dma_wait3A_84 = arith.constant 1 : i32
    %dma_wait3A_85 = arith.constant 0 : i32
    %dma_wait3A_86 = tpu.memref_slice %arg2[%dma_wait3A_84, %add3A_4, %dma_wait3A_85] : memref<4x2048x1024xf32, #tpu.memory_space<hbm>> -> memref<1x8x1024xf32, #tpu.memory_space<hbm>>
    %dma_wait3A_87 = tpu.memref_squeeze %dma_wait3A_86 : memref<1x8x1024xf32, #tpu.memory_space<hbm>> -> memref<8x1024xf32, #tpu.memory_space<hbm>>
    %dma_wait3A_88 = arith.constant 0 : i32
    %dma_wait3A_89 = tpu.memref_slice %arg2[%dma_wait3A_84, %add3A_4, %dma_wait3A_88] : memref<4x2048x1024xf32, #tpu.memory_space<hbm>> -> memref<1x8x1024xf32, #tpu.memory_space<hbm>>
    %dma_wait3A_90 = tpu.memref_squeeze %dma_wait3A_89 : memref<1x8x1024xf32, #tpu.memory_space<hbm>> -> memref<8x1024xf32, #tpu.memory_space<hbm>>
    tpu.wait_dma2 semaphore(%arg19 : memref<!tpu.dma_semaphore, #tpu.memory_space<semaphore_mem>>) src(%dma_wait3A_90 : memref<8x1024xf32, #tpu.memory_space<hbm>>) dst(%arg7 : memref<8x1024xf32, #tpu.memory_space<vmem>>)
    %dma_wait3A_91 = arith.constant 2 : i32
    %dma_wait3A_92 = arith.constant 0 : i32
    %dma_wait3A_93 = tpu.memref_slice %arg2[%dma_wait3A_91, %add3A_4, %dma_wait3A_92] : memref<4x2048x1024xf32, #tpu.memory_space<hbm>> -> memref<1x8x1024xf32, #tpu.memory_space<hbm>>
    %dma_wait3A_94 = tpu.memref_squeeze %dma_wait3A_93 : memref<1x8x1024xf32, #tpu.memory_space<hbm>> -> memref<8x1024xf32, #tpu.memory_space<hbm>>
    %dma_wait3A_95 = arith.constant 0 : i32
    %dma_wait3A_96 = tpu.memref_slice %arg2[%dma_wait3A_91, %add3A_4, %dma_wait3A_95] : memref<4x2048x1024xf32, #tpu.memory_space<hbm>> -> memref<1x8x1024xf32, #tpu.memory_space<hbm>>
    %dma_wait3A_97 = tpu.memref_squeeze %dma_wait3A_96 : memref<1x8x1024xf32, #tpu.memory_space<hbm>> -> memref<8x1024xf32, #tpu.memory_space<hbm>>
    tpu.wait_dma2 semaphore(%arg20 : memref<!tpu.dma_semaphore, #tpu.memory_space<semaphore_mem>>) src(%dma_wait3A_97 : memref<8x1024xf32, #tpu.memory_space<hbm>>) dst(%arg8 : memref<8x1024xf32, #tpu.memory_space<vmem>>)
    %dma_wait3A_98 = arith.constant 3 : i32
    %dma_wait3A_99 = arith.constant 0 : i32
    %dma_wait3A_100 = tpu.memref_slice %arg2[%dma_wait3A_98, %add3A_4, %dma_wait3A_99] : memref<4x2048x1024xf32, #tpu.memory_space<hbm>> -> memref<1x8x1024xf32, #tpu.memory_space<hbm>>
    %dma_wait3A_101 = tpu.memref_squeeze %dma_wait3A_100 : memref<1x8x1024xf32, #tpu.memory_space<hbm>> -> memref<8x1024xf32, #tpu.memory_space<hbm>>
    %dma_wait3A_102 = arith.constant 0 : i32
    %dma_wait3A_103 = tpu.memref_slice %arg2[%dma_wait3A_98, %add3A_4, %dma_wait3A_102] : memref<4x2048x1024xf32, #tpu.memory_space<hbm>> -> memref<1x8x1024xf32, #tpu.memory_space<hbm>>
    %dma_wait3A_104 = tpu.memref_squeeze %dma_wait3A_103 : memref<1x8x1024xf32, #tpu.memory_space<hbm>> -> memref<8x1024xf32, #tpu.memory_space<hbm>>
    tpu.wait_dma2 semaphore(%arg21 : memref<!tpu.dma_semaphore, #tpu.memory_space<semaphore_mem>>) src(%dma_wait3A_104 : memref<8x1024xf32, #tpu.memory_space<hbm>>) dst(%arg9 : memref<8x1024xf32, #tpu.memory_space<vmem>>)
    %dma_wait3A_105 = arith.constant 0 : i32
    %dma_wait3A_106 = tpu.memref_slice %arg3[%add3A_4, %dma_wait3A_105] : memref<2048x1024xf32, #tpu.memory_space<hbm>> -> memref<8x1024xf32, #tpu.memory_space<hbm>>
    %dma_wait3A_107 = arith.constant 0 : i32
    %dma_wait3A_108 = tpu.memref_slice %arg3[%add3A_4, %dma_wait3A_107] : memref<2048x1024xf32, #tpu.memory_space<hbm>> -> memref<8x1024xf32, #tpu.memory_space<hbm>>
    tpu.wait_dma2 semaphore(%arg26 : memref<!tpu.dma_semaphore, #tpu.memory_space<semaphore_mem>>) src(%dma_wait3A_108 : memref<8x1024xf32, #tpu.memory_space<hbm>>) dst(%arg14 : memref<8x1024xf32, #tpu.memory_space<vmem>>)
    %dma_wait3A_109 = arith.constant 0 : i32
    %dma_wait3A_110 = tpu.memref_slice %arg4[%add3A_4, %dma_wait3A_109] : memref<2048x1024xf32, #tpu.memory_space<hbm>> -> memref<8x1024xf32, #tpu.memory_space<hbm>>
    %dma_wait3A_111 = arith.constant 0 : i32
    %dma_wait3A_112 = tpu.memref_slice %arg4[%add3A_4, %dma_wait3A_111] : memref<2048x1024xf32, #tpu.memory_space<hbm>> -> memref<8x1024xf32, #tpu.memory_space<hbm>>
    tpu.wait_dma2 semaphore(%arg27 : memref<!tpu.dma_semaphore, #tpu.memory_space<semaphore_mem>>) src(%dma_wait3A_112 : memref<8x1024xf32, #tpu.memory_space<hbm>>) dst(%arg15 : memref<8x1024xf32, #tpu.memory_space<vmem>>)
    %scan3A = arith.constant 0 : i32
    %scan3A_113 = arith.constant 8 : i32
    %scan3A_114 = arith.addi %scan3A, %scan3A_113 : i32
    %scan3A_115 = arith.constant 1 : i32
    scf.for %scan3A_274 = %scan3A to %scan3A_114 step %scan3A_115  : i32 {
      %mul3A_275 = arith.constant 1 : i32
      %mul3A_276 = arith.muli %scan3A_274, %mul3A_275 : i32
      %add3A_277 = arith.constant 0 : i32
      %add3A_278 = arith.addi %add3A_277, %mul3A_276 : i32
      %scan3A_279 = arith.constant 0 : i32
      %scan3A_280 = arith.constant 64 : i32
      %scan3A_281 = arith.addi %scan3A_279, %scan3A_280 : i32
      %scan3A_282 = arith.constant 2 : i32
      scf.for %scan3A_284 = %scan3A_279 to %scan3A_281 step %scan3A_282  : i32 {
        %mul3A_285 = arith.constant 16 : i32
        %mul3A_286 = arith.muli %scan3A_284, %mul3A_285 : i32
        %add3A_287 = arith.constant 0 : i32
        %add3A_288 = arith.addi %add3A_287, %mul3A_286 : i32
        %get3A = arith.index_cast %add3A_278 : i32 to index
        %get3A_289 = arith.index_cast %add3A_288 : i32 to index
        %get3A_290 = tpu.vector_load %arg14[%get3A, %get3A_289] {strides = array<i32>} : memref<8x1024xf32, #tpu.memory_space<vmem>>, vector<1x16xf32>,
        %get3A_291 = vector.shape_cast %get3A_290 : vector<1x16xf32> to vector<16xf32>
        %get3A_292 = arith.index_cast %add3A_278 : i32 to index
        %get3A_293 = arith.index_cast %add3A_288 : i32 to index
        %get3A_294 = tpu.vector_load %arg15[%get3A_292, %get3A_293] {strides = array<i32>} : memref<8x1024xf32, #tpu.memory_space<vmem>>, vector<1x16xf32>,
        %get3A_295 = vector.shape_cast %get3A_294 : vector<1x16xf32> to vector<16xf32>
        %get3A_296 = arith.index_cast %add3A_278 : i32 to index
        %get3A_297 = arith.index_cast %add3A_288 : i32 to index
        %get3A_298 = tpu.vector_load %arg6[%get3A_296, %get3A_297] {strides = array<i32>} : memref<8x1024xf32, #tpu.memory_space<vmem>>, vector<1x16xf32>,
        %get3A_299 = vector.shape_cast %get3A_298 : vector<1x16xf32> to vector<16xf32>
        %mul3A_300 = arith.mulf %get3A_299, %get3A_295 : vector<16xf32>
        %add3A_301 = arith.addf %mul3A_300, %get3A_291 : vector<16xf32>
        %swap3A = arith.index_cast %add3A_278 : i32 to index
        %swap3A_302 = arith.index_cast %add3A_288 : i32 to index
        %swap3A_303 = tpu.vector_load %arg6[%swap3A, %swap3A_302] {strides = array<i32>} : memref<8x1024xf32, #tpu.memory_space<vmem>>, vector<1x16xf32>,
        %swap3A_304 = vector.shape_cast %swap3A_303 : vector<1x16xf32> to vector<16xf32>
        %swap3A_305 = vector.shape_cast %add3A_301 : vector<16xf32> to vector<1x16xf32>
        tpu.vector_store %arg6[%swap3A, %swap3A_302], %swap3A_305 {strides = array<i32>} : memref<8x1024xf32, #tpu.memory_space<vmem>>, vector<1x16xf32>,
        %get3A_306 = arith.index_cast %add3A_278 : i32 to index
        %get3A_307 = arith.index_cast %add3A_288 : i32 to index
        %get3A_308 = tpu.vector_load %arg7[%get3A_306, %get3A_307] {strides = array<i32>} : memref<8x1024xf32, #tpu.memory_space<vmem>>, vector<1x16xf32>,
        %get3A_309 = vector.shape_cast %get3A_308 : vector<1x16xf32> to vector<16xf32>
        %mul3A_310 = arith.mulf %get3A_309, %get3A_295 : vector<16xf32>
        %add3A_311 = arith.addf %mul3A_310, %get3A_291 : vector<16xf32>
        %swap3A_312 = arith.index_cast %add3A_278 : i32 to index
        %swap3A_313 = arith.index_cast %add3A_288 : i32 to index
        %swap3A_314 = tpu.vector_load %arg7[%swap3A_312, %swap3A_313] {strides = array<i32>} : memref<8x1024xf32, #tpu.memory_space<vmem>>, vector<1x16xf32>,
        %swap3A_315 = vector.shape_cast %swap3A_314 : vector<1x16xf32> to vector<16xf32>
        %swap3A_316 = vector.shape_cast %add3A_311 : vector<16xf32> to vector<1x16xf32>
        tpu.vector_store %arg7[%swap3A_312, %swap3A_313], %swap3A_316 {strides = array<i32>} : memref<8x1024xf32, #tpu.memory_space<vmem>>, vector<1x16xf32>,
        %get3A_317 = arith.index_cast %add3A_278 : i32 to index
        %get3A_318 = arith.index_cast %add3A_288 : i32 to index
        %get3A_319 = tpu.vector_load %arg8[%get3A_317, %get3A_318] {strides = array<i32>} : memref<8x1024xf32, #tpu.memory_space<vmem>>, vector<1x16xf32>,
        %get3A_320 = vector.shape_cast %get3A_319 : vector<1x16xf32> to vector<16xf32>
        %mul3A_321 = arith.mulf %get3A_320, %get3A_295 : vector<16xf32>
        %add3A_322 = arith.addf %mul3A_321, %get3A_291 : vector<16xf32>
        %swap3A_323 = arith.index_cast %add3A_278 : i32 to index
        %swap3A_324 = arith.index_cast %add3A_288 : i32 to index
        %swap3A_325 = tpu.vector_load %arg8[%swap3A_323, %swap3A_324] {strides = array<i32>} : memref<8x1024xf32, #tpu.memory_space<vmem>>, vector<1x16xf32>,
        %swap3A_326 = vector.shape_cast %swap3A_325 : vector<1x16xf32> to vector<16xf32>
        %swap3A_327 = vector.shape_cast %add3A_322 : vector<16xf32> to vector<1x16xf32>
        tpu.vector_store %arg8[%swap3A_323, %swap3A_324], %swap3A_327 {strides = array<i32>} : memref<8x1024xf32, #tpu.memory_space<vmem>>, vector<1x16xf32>,
        %get3A_328 = arith.index_cast %add3A_278 : i32 to index
        %get3A_329 = arith.index_cast %add3A_288 : i32 to index
        %get3A_330 = tpu.vector_load %arg9[%get3A_328, %get3A_329] {strides = array<i32>} : memref<8x1024xf32, #tpu.memory_space<vmem>>, vector<1x16xf32>,
        %get3A_331 = vector.shape_cast %get3A_330 : vector<1x16xf32> to vector<16xf32>
        %mul3A_332 = arith.mulf %get3A_331, %get3A_295 : vector<16xf32>
        %add3A_333 = arith.addf %mul3A_332, %get3A_291 : vector<16xf32>
        %swap3A_334 = arith.index_cast %add3A_278 : i32 to index
        %swap3A_335 = arith.index_cast %add3A_288 : i32 to index
        %swap3A_336 = tpu.vector_load %arg9[%swap3A_334, %swap3A_335] {strides = array<i32>} : memref<8x1024xf32, #tpu.memory_space<vmem>>, vector<1x16xf32>,
        %swap3A_337 = vector.shape_cast %swap3A_336 : vector<1x16xf32> to vector<16xf32>
        %swap3A_338 = vector.shape_cast %add3A_333 : vector<16xf32> to vector<1x16xf32>
        tpu.vector_store %arg9[%swap3A_334, %swap3A_335], %swap3A_338 {strides = array<i32>} : memref<8x1024xf32, #tpu.memory_space<vmem>>, vector<1x16xf32>,
        %scan3A_339 = arith.constant 1 : i32
        %scan3A_340 = arith.addi %scan3A_284, %scan3A_339 : i32
        %mul3A_341 = arith.constant 16 : i32
        %mul3A_342 = arith.muli %scan3A_340, %mul3A_341 : i32
        %add3A_343 = arith.constant 0 : i32
        %add3A_344 = arith.addi %add3A_343, %mul3A_342 : i32
        %get3A_345 = arith.index_cast %add3A_278 : i32 to index
        %get3A_346 = arith.index_cast %add3A_344 : i32 to index
        %get3A_347 = tpu.vector_load %arg14[%get3A_345, %get3A_346] {strides = array<i32>} : memref<8x1024xf32, #tpu.memory_space<vmem>>, vector<1x16xf32>,
        %get3A_348 = vector.shape_cast %get3A_347 : vector<1x16xf32> to vector<16xf32>
        %get3A_349 = arith.index_cast %add3A_278 : i32 to index
        %get3A_350 = arith.index_cast %add3A_344 : i32 to index
        %get3A_351 = tpu.vector_load %arg15[%get3A_349, %get3A_350] {strides = array<i32>} : memref<8x1024xf32, #tpu.memory_space<vmem>>, vector<1x16xf32>,
        %get3A_352 = vector.shape_cast %get3A_351 : vector<1x16xf32> to vector<16xf32>
        %get3A_353 = arith.index_cast %add3A_278 : i32 to index
        %get3A_354 = arith.index_cast %add3A_344 : i32 to index
        %get3A_355 = tpu.vector_load %arg6[%get3A_353, %get3A_354] {strides = array<i32>} : memref<8x1024xf32, #tpu.memory_space<vmem>>, vector<1x16xf32>,
        %get3A_356 = vector.shape_cast %get3A_355 : vector<1x16xf32> to vector<16xf32>
        %mul3A_357 = arith.mulf %get3A_356, %get3A_352 : vector<16xf32>
        %add3A_358 = arith.addf %mul3A_357, %get3A_348 : vector<16xf32>
        %swap3A_359 = arith.index_cast %add3A_278 : i32 to index
        %swap3A_360 = arith.index_cast %add3A_344 : i32 to index
        %swap3A_361 = tpu.vector_load %arg6[%swap3A_359, %swap3A_360] {strides = array<i32>} : memref<8x1024xf32, #tpu.memory_space<vmem>>, vector<1x16xf32>,
        %swap3A_362 = vector.shape_cast %swap3A_361 : vector<1x16xf32> to vector<16xf32>
        %swap3A_363 = vector.shape_cast %add3A_358 : vector<16xf32> to vector<1x16xf32>
        tpu.vector_store %arg6[%swap3A_359, %swap3A_360], %swap3A_363 {strides = array<i32>} : memref<8x1024xf32, #tpu.memory_space<vmem>>, vector<1x16xf32>,
        %get3A_364 = arith.index_cast %add3A_278 : i32 to index
        %get3A_365 = arith.index_cast %add3A_344 : i32 to index
        %get3A_366 = tpu.vector_load %arg7[%get3A_364, %get3A_365] {strides = array<i32>} : memref<8x1024xf32, #tpu.memory_space<vmem>>, vector<1x16xf32>,
        %get3A_367 = vector.shape_cast %get3A_366 : vector<1x16xf32> to vector<16xf32>
        %mul3A_368 = arith.mulf %get3A_367, %get3A_352 : vector<16xf32>
        %add3A_369 = arith.addf %mul3A_368, %get3A_348 : vector<16xf32>
        %swap3A_370 = arith.index_cast %add3A_278 : i32 to index
        %swap3A_371 = arith.index_cast %add3A_344 : i32 to index
        %swap3A_372 = tpu.vector_load %arg7[%swap3A_370, %swap3A_371] {strides = array<i32>} : memref<8x1024xf32, #tpu.memory_space<vmem>>, vector<1x16xf32>,
        %swap3A_373 = vector.shape_cast %swap3A_372 : vector<1x16xf32> to vector<16xf32>
        %swap3A_374 = vector.shape_cast %add3A_369 : vector<16xf32> to vector<1x16xf32>
        tpu.vector_store %arg7[%swap3A_370, %swap3A_371], %swap3A_374 {strides = array<i32>} : memref<8x1024xf32, #tpu.memory_space<vmem>>, vector<1x16xf32>,
        %get3A_375 = arith.index_cast %add3A_278 : i32 to index
        %get3A_376 = arith.index_cast %add3A_344 : i32 to index
        %get3A_377 = tpu.vector_load %arg8[%get3A_375, %get3A_376] {strides = array<i32>} : memref<8x1024xf32, #tpu.memory_space<vmem>>, vector<1x16xf32>,
        %get3A_378 = vector.shape_cast %get3A_377 : vector<1x16xf32> to vector<16xf32>
        %mul3A_379 = arith.mulf %get3A_378, %get3A_352 : vector<16xf32>
        %add3A_380 = arith.addf %mul3A_379, %get3A_348 : vector<16xf32>
        %swap3A_381 = arith.index_cast %add3A_278 : i32 to index
        %swap3A_382 = arith.index_cast %add3A_344 : i32 to index
        %swap3A_383 = tpu.vector_load %arg8[%swap3A_381, %swap3A_382] {strides = array<i32>} : memref<8x1024xf32, #tpu.memory_space<vmem>>, vector<1x16xf32>,
        %swap3A_384 = vector.shape_cast %swap3A_383 : vector<1x16xf32> to vector<16xf32>
        %swap3A_385 = vector.shape_cast %add3A_380 : vector<16xf32> to vector<1x16xf32>
        tpu.vector_store %arg8[%swap3A_381, %swap3A_382], %swap3A_385 {strides = array<i32>} : memref<8x1024xf32, #tpu.memory_space<vmem>>, vector<1x16xf32>,
        %get3A_386 = arith.index_cast %add3A_278 : i32 to index
        %get3A_387 = arith.index_cast %add3A_344 : i32 to index
        %get3A_388 = tpu.vector_load %arg9[%get3A_386, %get3A_387] {strides = array<i32>} : memref<8x1024xf32, #tpu.memory_space<vmem>>, vector<1x16xf32>,
        %get3A_389 = vector.shape_cast %get3A_388 : vector<1x16xf32> to vector<16xf32>
        %mul3A_390 = arith.mulf %get3A_389, %get3A_352 : vector<16xf32>
        %add3A_391 = arith.addf %mul3A_390, %get3A_348 : vector<16xf32>
        %swap3A_392 = arith.index_cast %add3A_278 : i32 to index
        %swap3A_393 = arith.index_cast %add3A_344 : i32 to index
        %swap3A_394 = tpu.vector_load %arg9[%swap3A_392, %swap3A_393] {strides = array<i32>} : memref<8x1024xf32, #tpu.memory_space<vmem>>, vector<1x16xf32>,
        %swap3A_395 = vector.shape_cast %swap3A_394 : vector<1x16xf32> to vector<16xf32>
        %swap3A_396 = vector.shape_cast %add3A_391 : vector<16xf32> to vector<1x16xf32>
        tpu.vector_store %arg9[%swap3A_392, %swap3A_393], %swap3A_396 {strides = array<i32>} : memref<8x1024xf32, #tpu.memory_space<vmem>>, vector<1x16xf32>,
      }
      %scan3A_283 = arith.constant 64 : i32
    }
    %scan3A_116 = arith.constant 8 : i32
    %add3A_117 = arith.constant 0 : i32
    %add3A_118 = arith.addi %mul3A_2, %add3A_117 : i32
    %dma_start3A_119 = arith.constant 0 : i32
    %dma_start3A_120 = arith.constant 0 : i32
    %dma_start3A_121 = tpu.memref_slice %arg5[%dma_start3A_119, %add3A_118, %dma_start3A_120] : memref<4x512x1024xf32, #tpu.memory_space<hbm>> -> memref<1x8x1024xf32, #tpu.memory_space<hbm>>
    %dma_start3A_122 = tpu.memref_squeeze %dma_start3A_121 : memref<1x8x1024xf32, #tpu.memory_space<hbm>> -> memref<8x1024xf32, #tpu.memory_space<hbm>>
    %dma_start3A_123 = arith.constant 0 : i32
    %dma_start3A_124 = tpu.memref_slice %arg5[%dma_start3A_119, %add3A_118, %dma_start3A_123] : memref<4x512x1024xf32, #tpu.memory_space<hbm>> -> memref<1x8x1024xf32, #tpu.memory_space<hbm>>
    %dma_start3A_125 = tpu.memref_squeeze %dma_start3A_124 : memref<1x8x1024xf32, #tpu.memory_space<hbm>> -> memref<8x1024xf32, #tpu.memory_space<hbm>>
    tpu.enqueue_dma source(%arg6 : memref<8x1024xf32, #tpu.memory_space<vmem>>) target(%dma_start3A_125 : memref<8x1024xf32, #tpu.memory_space<hbm>>) target_semaphore(%arg30 : memref<!tpu.dma_semaphore, #tpu.memory_space<semaphore_mem>>)
    %dma_start3A_126 = arith.constant 1 : i32
    %dma_start3A_127 = arith.constant 0 : i32
    %dma_start3A_128 = tpu.memref_slice %arg5[%dma_start3A_126, %add3A_118, %dma_start3A_127] : memref<4x512x1024xf32, #tpu.memory_space<hbm>> -> memref<1x8x1024xf32, #tpu.memory_space<hbm>>
    %dma_start3A_129 = tpu.memref_squeeze %dma_start3A_128 : memref<1x8x1024xf32, #tpu.memory_space<hbm>> -> memref<8x1024xf32, #tpu.memory_space<hbm>>
    %dma_start3A_130 = arith.constant 0 : i32
    %dma_start3A_131 = tpu.memref_slice %arg5[%dma_start3A_126, %add3A_118, %dma_start3A_130] : memref<4x512x1024xf32, #tpu.memory_space<hbm>> -> memref<1x8x1024xf32, #tpu.memory_space<hbm>>
    %dma_start3A_132 = tpu.memref_squeeze %dma_start3A_131 : memref<1x8x1024xf32, #tpu.memory_space<hbm>> -> memref<8x1024xf32, #tpu.memory_space<hbm>>
    tpu.enqueue_dma source(%arg7 : memref<8x1024xf32, #tpu.memory_space<vmem>>) target(%dma_start3A_132 : memref<8x1024xf32, #tpu.memory_space<hbm>>) target_semaphore(%arg31 : memref<!tpu.dma_semaphore, #tpu.memory_space<semaphore_mem>>)
    %dma_start3A_133 = arith.constant 2 : i32
    %dma_start3A_134 = arith.constant 0 : i32
    %dma_start3A_135 = tpu.memref_slice %arg5[%dma_start3A_133, %add3A_118, %dma_start3A_134] : memref<4x512x1024xf32, #tpu.memory_space<hbm>> -> memref<1x8x1024xf32, #tpu.memory_space<hbm>>
    %dma_start3A_136 = tpu.memref_squeeze %dma_start3A_135 : memref<1x8x1024xf32, #tpu.memory_space<hbm>> -> memref<8x1024xf32, #tpu.memory_space<hbm>>
    %dma_start3A_137 = arith.constant 0 : i32
    %dma_start3A_138 = tpu.memref_slice %arg5[%dma_start3A_133, %add3A_118, %dma_start3A_137] : memref<4x512x1024xf32, #tpu.memory_space<hbm>> -> memref<1x8x1024xf32, #tpu.memory_space<hbm>>
    %dma_start3A_139 = tpu.memref_squeeze %dma_start3A_138 : memref<1x8x1024xf32, #tpu.memory_space<hbm>> -> memref<8x1024xf32, #tpu.memory_space<hbm>>
    tpu.enqueue_dma source(%arg8 : memref<8x1024xf32, #tpu.memory_space<vmem>>) target(%dma_start3A_139 : memref<8x1024xf32, #tpu.memory_space<hbm>>) target_semaphore(%arg32 : memref<!tpu.dma_semaphore, #tpu.memory_space<semaphore_mem>>)
    %dma_start3A_140 = arith.constant 3 : i32
    %dma_start3A_141 = arith.constant 0 : i32
    %dma_start3A_142 = tpu.memref_slice %arg5[%dma_start3A_140, %add3A_118, %dma_start3A_141] : memref<4x512x1024xf32, #tpu.memory_space<hbm>> -> memref<1x8x1024xf32, #tpu.memory_space<hbm>>
    %dma_start3A_143 = tpu.memref_squeeze %dma_start3A_142 : memref<1x8x1024xf32, #tpu.memory_space<hbm>> -> memref<8x1024xf32, #tpu.memory_space<hbm>>
    %dma_start3A_144 = arith.constant 0 : i32
    %dma_start3A_145 = tpu.memref_slice %arg5[%dma_start3A_140, %add3A_118, %dma_start3A_144] : memref<4x512x1024xf32, #tpu.memory_space<hbm>> -> memref<1x8x1024xf32, #tpu.memory_space<hbm>>
    %dma_start3A_146 = tpu.memref_squeeze %dma_start3A_145 : memref<1x8x1024xf32, #tpu.memory_space<hbm>> -> memref<8x1024xf32, #tpu.memory_space<hbm>>
    tpu.enqueue_dma source(%arg9 : memref<8x1024xf32, #tpu.memory_space<vmem>>) target(%dma_start3A_146 : memref<8x1024xf32, #tpu.memory_space<hbm>>) target_semaphore(%arg33 : memref<!tpu.dma_semaphore, #tpu.memory_space<semaphore_mem>>)
    %dma_wait3A_147 = arith.constant 0 : i32
    %dma_wait3A_148 = arith.constant 0 : i32
    %dma_wait3A_149 = tpu.memref_slice %arg2[%dma_wait3A_147, %add3A_41, %dma_wait3A_148] : memref<4x2048x1024xf32, #tpu.memory_space<hbm>> -> memref<1x8x1024xf32, #tpu.memory_space<hbm>>
    %dma_wait3A_150 = tpu.memref_squeeze %dma_wait3A_149 : memref<1x8x1024xf32, #tpu.memory_space<hbm>> -> memref<8x1024xf32, #tpu.memory_space<hbm>>
    %dma_wait3A_151 = arith.constant 0 : i32
    %dma_wait3A_152 = tpu.memref_slice %arg2[%dma_wait3A_147, %add3A_41, %dma_wait3A_151] : memref<4x2048x1024xf32, #tpu.memory_space<hbm>> -> memref<1x8x1024xf32, #tpu.memory_space<hbm>>
    %dma_wait3A_153 = tpu.memref_squeeze %dma_wait3A_152 : memref<1x8x1024xf32, #tpu.memory_space<hbm>> -> memref<8x1024xf32, #tpu.memory_space<hbm>>
    tpu.wait_dma2 semaphore(%arg22 : memref<!tpu.dma_semaphore, #tpu.memory_space<semaphore_mem>>) src(%dma_wait3A_153 : memref<8x1024xf32, #tpu.memory_space<hbm>>) dst(%arg10 : memref<8x1024xf32, #tpu.memory_space<vmem>>)
    %dma_wait3A_154 = arith.constant 1 : i32
    %dma_wait3A_155 = arith.constant 0 : i32
    %dma_wait3A_156 = tpu.memref_slice %arg2[%dma_wait3A_154, %add3A_41, %dma_wait3A_155] : memref<4x2048x1024xf32, #tpu.memory_space<hbm>> -> memref<1x8x1024xf32, #tpu.memory_space<hbm>>
    %dma_wait3A_157 = tpu.memref_squeeze %dma_wait3A_156 : memref<1x8x1024xf32, #tpu.memory_space<hbm>> -> memref<8x1024xf32, #tpu.memory_space<hbm>>
    %dma_wait3A_158 = arith.constant 0 : i32
    %dma_wait3A_159 = tpu.memref_slice %arg2[%dma_wait3A_154, %add3A_41, %dma_wait3A_158] : memref<4x2048x1024xf32, #tpu.memory_space<hbm>> -> memref<1x8x1024xf32, #tpu.memory_space<hbm>>
    %dma_wait3A_160 = tpu.memref_squeeze %dma_wait3A_159 : memref<1x8x1024xf32, #tpu.memory_space<hbm>> -> memref<8x1024xf32, #tpu.memory_space<hbm>>
    tpu.wait_dma2 semaphore(%arg23 : memref<!tpu.dma_semaphore, #tpu.memory_space<semaphore_mem>>) src(%dma_wait3A_160 : memref<8x1024xf32, #tpu.memory_space<hbm>>) dst(%arg11 : memref<8x1024xf32, #tpu.memory_space<vmem>>)
    %dma_wait3A_161 = arith.constant 2 : i32
    %dma_wait3A_162 = arith.constant 0 : i32
    %dma_wait3A_163 = tpu.memref_slice %arg2[%dma_wait3A_161, %add3A_41, %dma_wait3A_162] : memref<4x2048x1024xf32, #tpu.memory_space<hbm>> -> memref<1x8x1024xf32, #tpu.memory_space<hbm>>
    %dma_wait3A_164 = tpu.memref_squeeze %dma_wait3A_163 : memref<1x8x1024xf32, #tpu.memory_space<hbm>> -> memref<8x1024xf32, #tpu.memory_space<hbm>>
    %dma_wait3A_165 = arith.constant 0 : i32
    %dma_wait3A_166 = tpu.memref_slice %arg2[%dma_wait3A_161, %add3A_41, %dma_wait3A_165] : memref<4x2048x1024xf32, #tpu.memory_space<hbm>> -> memref<1x8x1024xf32, #tpu.memory_space<hbm>>
    %dma_wait3A_167 = tpu.memref_squeeze %dma_wait3A_166 : memref<1x8x1024xf32, #tpu.memory_space<hbm>> -> memref<8x1024xf32, #tpu.memory_space<hbm>>
    tpu.wait_dma2 semaphore(%arg24 : memref<!tpu.dma_semaphore, #tpu.memory_space<semaphore_mem>>) src(%dma_wait3A_167 : memref<8x1024xf32, #tpu.memory_space<hbm>>) dst(%arg12 : memref<8x1024xf32, #tpu.memory_space<vmem>>)
    %dma_wait3A_168 = arith.constant 3 : i32
    %dma_wait3A_169 = arith.constant 0 : i32
    %dma_wait3A_170 = tpu.memref_slice %arg2[%dma_wait3A_168, %add3A_41, %dma_wait3A_169] : memref<4x2048x1024xf32, #tpu.memory_space<hbm>> -> memref<1x8x1024xf32, #tpu.memory_space<hbm>>
    %dma_wait3A_171 = tpu.memref_squeeze %dma_wait3A_170 : memref<1x8x1024xf32, #tpu.memory_space<hbm>> -> memref<8x1024xf32, #tpu.memory_space<hbm>>
    %dma_wait3A_172 = arith.constant 0 : i32
    %dma_wait3A_173 = tpu.memref_slice %arg2[%dma_wait3A_168, %add3A_41, %dma_wait3A_172] : memref<4x2048x1024xf32, #tpu.memory_space<hbm>> -> memref<1x8x1024xf32, #tpu.memory_space<hbm>>
    %dma_wait3A_174 = tpu.memref_squeeze %dma_wait3A_173 : memref<1x8x1024xf32, #tpu.memory_space<hbm>> -> memref<8x1024xf32, #tpu.memory_space<hbm>>
    tpu.wait_dma2 semaphore(%arg25 : memref<!tpu.dma_semaphore, #tpu.memory_space<semaphore_mem>>) src(%dma_wait3A_174 : memref<8x1024xf32, #tpu.memory_space<hbm>>) dst(%arg13 : memref<8x1024xf32, #tpu.memory_space<vmem>>)
    %dma_wait3A_175 = arith.constant 0 : i32
    %dma_wait3A_176 = tpu.memref_slice %arg3[%add3A_41, %dma_wait3A_175] : memref<2048x1024xf32, #tpu.memory_space<hbm>> -> memref<8x1024xf32, #tpu.memory_space<hbm>>
    %dma_wait3A_177 = arith.constant 0 : i32
    %dma_wait3A_178 = tpu.memref_slice %arg3[%add3A_41, %dma_wait3A_177] : memref<2048x1024xf32, #tpu.memory_space<hbm>> -> memref<8x1024xf32, #tpu.memory_space<hbm>>
    tpu.wait_dma2 semaphore(%arg28 : memref<!tpu.dma_semaphore, #tpu.memory_space<semaphore_mem>>) src(%dma_wait3A_178 : memref<8x1024xf32, #tpu.memory_space<hbm>>) dst(%arg16 : memref<8x1024xf32, #tpu.memory_space<vmem>>)
    %dma_wait3A_179 = arith.constant 0 : i32
    %dma_wait3A_180 = tpu.memref_slice %arg4[%add3A_41, %dma_wait3A_179] : memref<2048x1024xf32, #tpu.memory_space<hbm>> -> memref<8x1024xf32, #tpu.memory_space<hbm>>
    %dma_wait3A_181 = arith.constant 0 : i32
    %dma_wait3A_182 = tpu.memref_slice %arg4[%add3A_41, %dma_wait3A_181] : memref<2048x1024xf32, #tpu.memory_space<hbm>> -> memref<8x1024xf32, #tpu.memory_space<hbm>>
    tpu.wait_dma2 semaphore(%arg29 : memref<!tpu.dma_semaphore, #tpu.memory_space<semaphore_mem>>) src(%dma_wait3A_182 : memref<8x1024xf32, #tpu.memory_space<hbm>>) dst(%arg17 : memref<8x1024xf32, #tpu.memory_space<vmem>>)
    %scan3A_183 = arith.constant 0 : i32
    %scan3A_184 = arith.constant 8 : i32
    %scan3A_185 = arith.addi %scan3A_183, %scan3A_184 : i32
    %scan3A_186 = arith.constant 1 : i32
    scf.for %scan3A_274 = %scan3A_183 to %scan3A_185 step %scan3A_186  : i32 {
      %mul3A_275 = arith.constant 1 : i32
      %mul3A_276 = arith.muli %scan3A_274, %mul3A_275 : i32
      %add3A_277 = arith.constant 0 : i32
      %add3A_278 = arith.addi %add3A_277, %mul3A_276 : i32
      %scan3A_279 = arith.constant 0 : i32
      %scan3A_280 = arith.constant 64 : i32
      %scan3A_281 = arith.addi %scan3A_279, %scan3A_280 : i32
      %scan3A_282 = arith.constant 2 : i32
      scf.for %scan3A_284 = %scan3A_279 to %scan3A_281 step %scan3A_282  : i32 {
        %mul3A_285 = arith.constant 16 : i32
        %mul3A_286 = arith.muli %scan3A_284, %mul3A_285 : i32
        %add3A_287 = arith.constant 0 : i32
        %add3A_288 = arith.addi %add3A_287, %mul3A_286 : i32
        %get3A = arith.index_cast %add3A_278 : i32 to index
        %get3A_289 = arith.index_cast %add3A_288 : i32 to index
        %get3A_290 = tpu.vector_load %arg16[%get3A, %get3A_289] {strides = array<i32>} : memref<8x1024xf32, #tpu.memory_space<vmem>>, vector<1x16xf32>,
        %get3A_291 = vector.shape_cast %get3A_290 : vector<1x16xf32> to vector<16xf32>
        %get3A_292 = arith.index_cast %add3A_278 : i32 to index
        %get3A_293 = arith.index_cast %add3A_288 : i32 to index
        %get3A_294 = tpu.vector_load %arg17[%get3A_292, %get3A_293] {strides = array<i32>} : memref<8x1024xf32, #tpu.memory_space<vmem>>, vector<1x16xf32>,
        %get3A_295 = vector.shape_cast %get3A_294 : vector<1x16xf32> to vector<16xf32>
        %get3A_296 = arith.index_cast %add3A_278 : i32 to index
        %get3A_297 = arith.index_cast %add3A_288 : i32 to index
        %get3A_298 = tpu.vector_load %arg10[%get3A_296, %get3A_297] {strides = array<i32>} : memref<8x1024xf32, #tpu.memory_space<vmem>>, vector<1x16xf32>,
        %get3A_299 = vector.shape_cast %get3A_298 : vector<1x16xf32> to vector<16xf32>
        %mul3A_300 = arith.mulf %get3A_299, %get3A_295 : vector<16xf32>
        %add3A_301 = arith.addf %mul3A_300, %get3A_291 : vector<16xf32>
        %swap3A = arith.index_cast %add3A_278 : i32 to index
        %swap3A_302 = arith.index_cast %add3A_288 : i32 to index
        %swap3A_303 = tpu.vector_load %arg10[%swap3A, %swap3A_302] {strides = array<i32>} : memref<8x1024xf32, #tpu.memory_space<vmem>>, vector<1x16xf32>,
        %swap3A_304 = vector.shape_cast %swap3A_303 : vector<1x16xf32> to vector<16xf32>
        %swap3A_305 = vector.shape_cast %add3A_301 : vector<16xf32> to vector<1x16xf32>
        tpu.vector_store %arg10[%swap3A, %swap3A_302], %swap3A_305 {strides = array<i32>} : memref<8x1024xf32, #tpu.memory_space<vmem>>, vector<1x16xf32>,
        %get3A_306 = arith.index_cast %add3A_278 : i32 to index
        %get3A_307 = arith.index_cast %add3A_288 : i32 to index
        %get3A_308 = tpu.vector_load %arg11[%get3A_306, %get3A_307] {strides = array<i32>} : memref<8x1024xf32, #tpu.memory_space<vmem>>, vector<1x16xf32>,
        %get3A_309 = vector.shape_cast %get3A_308 : vector<1x16xf32> to vector<16xf32>
        %mul3A_310 = arith.mulf %get3A_309, %get3A_295 : vector<16xf32>
        %add3A_311 = arith.addf %mul3A_310, %get3A_291 : vector<16xf32>
        %swap3A_312 = arith.index_cast %add3A_278 : i32 to index
        %swap3A_313 = arith.index_cast %add3A_288 : i32 to index
        %swap3A_314 = tpu.vector_load %arg11[%swap3A_312, %swap3A_313] {strides = array<i32>} : memref<8x1024xf32, #tpu.memory_space<vmem>>, vector<1x16xf32>,
        %swap3A_315 = vector.shape_cast %swap3A_314 : vector<1x16xf32> to vector<16xf32>
        %swap3A_316 = vector.shape_cast %add3A_311 : vector<16xf32> to vector<1x16xf32>
        tpu.vector_store %arg11[%swap3A_312, %swap3A_313], %swap3A_316 {strides = array<i32>} : memref<8x1024xf32, #tpu.memory_space<vmem>>, vector<1x16xf32>,
        %get3A_317 = arith.index_cast %add3A_278 : i32 to index
        %get3A_318 = arith.index_cast %add3A_288 : i32 to index
        %get3A_319 = tpu.vector_load %arg12[%get3A_317, %get3A_318] {strides = array<i32>} : memref<8x1024xf32, #tpu.memory_space<vmem>>, vector<1x16xf32>,
        %get3A_320 = vector.shape_cast %get3A_319 : vector<1x16xf32> to vector<16xf32>
        %mul3A_321 = arith.mulf %get3A_320, %get3A_295 : vector<16xf32>
        %add3A_322 = arith.addf %mul3A_321, %get3A_291 : vector<16xf32>
        %swap3A_323 = arith.index_cast %add3A_278 : i32 to index
        %swap3A_324 = arith.index_cast %add3A_288 : i32 to index
        %swap3A_325 = tpu.vector_load %arg12[%swap3A_323, %swap3A_324] {strides = array<i32>} : memref<8x1024xf32, #tpu.memory_space<vmem>>, vector<1x16xf32>,
        %swap3A_326 = vector.shape_cast %swap3A_325 : vector<1x16xf32> to vector<16xf32>
        %swap3A_327 = vector.shape_cast %add3A_322 : vector<16xf32> to vector<1x16xf32>
        tpu.vector_store %arg12[%swap3A_323, %swap3A_324], %swap3A_327 {strides = array<i32>} : memref<8x1024xf32, #tpu.memory_space<vmem>>, vector<1x16xf32>,
        %get3A_328 = arith.index_cast %add3A_278 : i32 to index
        %get3A_329 = arith.index_cast %add3A_288 : i32 to index
        %get3A_330 = tpu.vector_load %arg13[%get3A_328, %get3A_329] {strides = array<i32>} : memref<8x1024xf32, #tpu.memory_space<vmem>>, vector<1x16xf32>,
        %get3A_331 = vector.shape_cast %get3A_330 : vector<1x16xf32> to vector<16xf32>
        %mul3A_332 = arith.mulf %get3A_331, %get3A_295 : vector<16xf32>
        %add3A_333 = arith.addf %mul3A_332, %get3A_291 : vector<16xf32>
        %swap3A_334 = arith.index_cast %add3A_278 : i32 to index
        %swap3A_335 = arith.index_cast %add3A_288 : i32 to index
        %swap3A_336 = tpu.vector_load %arg13[%swap3A_334, %swap3A_335] {strides = array<i32>} : memref<8x1024xf32, #tpu.memory_space<vmem>>, vector<1x16xf32>,
        %swap3A_337 = vector.shape_cast %swap3A_336 : vector<1x16xf32> to vector<16xf32>
        %swap3A_338 = vector.shape_cast %add3A_333 : vector<16xf32> to vector<1x16xf32>
        tpu.vector_store %arg13[%swap3A_334, %swap3A_335], %swap3A_338 {strides = array<i32>} : memref<8x1024xf32, #tpu.memory_space<vmem>>, vector<1x16xf32>,
        %scan3A_339 = arith.constant 1 : i32
        %scan3A_340 = arith.addi %scan3A_284, %scan3A_339 : i32
        %mul3A_341 = arith.constant 16 : i32
        %mul3A_342 = arith.muli %scan3A_340, %mul3A_341 : i32
        %add3A_343 = arith.constant 0 : i32
        %add3A_344 = arith.addi %add3A_343, %mul3A_342 : i32
        %get3A_345 = arith.index_cast %add3A_278 : i32 to index
        %get3A_346 = arith.index_cast %add3A_344 : i32 to index
        %get3A_347 = tpu.vector_load %arg16[%get3A_345, %get3A_346] {strides = array<i32>} : memref<8x1024xf32, #tpu.memory_space<vmem>>, vector<1x16xf32>,
        %get3A_348 = vector.shape_cast %get3A_347 : vector<1x16xf32> to vector<16xf32>
        %get3A_349 = arith.index_cast %add3A_278 : i32 to index
        %get3A_350 = arith.index_cast %add3A_344 : i32 to index
        %get3A_351 = tpu.vector_load %arg17[%get3A_349, %get3A_350] {strides = array<i32>} : memref<8x1024xf32, #tpu.memory_space<vmem>>, vector<1x16xf32>,
        %get3A_352 = vector.shape_cast %get3A_351 : vector<1x16xf32> to vector<16xf32>
        %get3A_353 = arith.index_cast %add3A_278 : i32 to index
        %get3A_354 = arith.index_cast %add3A_344 : i32 to index
        %get3A_355 = tpu.vector_load %arg10[%get3A_353, %get3A_354] {strides = array<i32>} : memref<8x1024xf32, #tpu.memory_space<vmem>>, vector<1x16xf32>,
        %get3A_356 = vector.shape_cast %get3A_355 : vector<1x16xf32> to vector<16xf32>
        %mul3A_357 = arith.mulf %get3A_356, %get3A_352 : vector<16xf32>
        %add3A_358 = arith.addf %mul3A_357, %get3A_348 : vector<16xf32>
        %swap3A_359 = arith.index_cast %add3A_278 : i32 to index
        %swap3A_360 = arith.index_cast %add3A_344 : i32 to index
        %swap3A_361 = tpu.vector_load %arg10[%swap3A_359, %swap3A_360] {strides = array<i32>} : memref<8x1024xf32, #tpu.memory_space<vmem>>, vector<1x16xf32>,
        %swap3A_362 = vector.shape_cast %swap3A_361 : vector<1x16xf32> to vector<16xf32>
        %swap3A_363 = vector.shape_cast %add3A_358 : vector<16xf32> to vector<1x16xf32>
        tpu.vector_store %arg10[%swap3A_359, %swap3A_360], %swap3A_363 {strides = array<i32>} : memref<8x1024xf32, #tpu.memory_space<vmem>>, vector<1x16xf32>,
        %get3A_364 = arith.index_cast %add3A_278 : i32 to index
        %get3A_365 = arith.index_cast %add3A_344 : i32 to index
        %get3A_366 = tpu.vector_load %arg11[%get3A_364, %get3A_365] {strides = array<i32>} : memref<8x1024xf32, #tpu.memory_space<vmem>>, vector<1x16xf32>,
        %get3A_367 = vector.shape_cast %get3A_366 : vector<1x16xf32> to vector<16xf32>
        %mul3A_368 = arith.mulf %get3A_367, %get3A_352 : vector<16xf32>
        %add3A_369 = arith.addf %mul3A_368, %get3A_348 : vector<16xf32>
        %swap3A_370 = arith.index_cast %add3A_278 : i32 to index
        %swap3A_371 = arith.index_cast %add3A_344 : i32 to index
        %swap3A_372 = tpu.vector_load %arg11[%swap3A_370, %swap3A_371] {strides = array<i32>} : memref<8x1024xf32, #tpu.memory_space<vmem>>, vector<1x16xf32>,
        %swap3A_373 = vector.shape_cast %swap3A_372 : vector<1x16xf32> to vector<16xf32>
        %swap3A_374 = vector.shape_cast %add3A_369 : vector<16xf32> to vector<1x16xf32>
        tpu.vector_store %arg11[%swap3A_370, %swap3A_371], %swap3A_374 {strides = array<i32>} : memref<8x1024xf32, #tpu.memory_space<vmem>>, vector<1x16xf32>,
        %get3A_375 = arith.index_cast %add3A_278 : i32 to index
        %get3A_376 = arith.index_cast %add3A_344 : i32 to index
        %get3A_377 = tpu.vector_load %arg12[%get3A_375, %get3A_376] {strides = array<i32>} : memref<8x1024xf32, #tpu.memory_space<vmem>>, vector<1x16xf32>,
        %get3A_378 = vector.shape_cast %get3A_377 : vector<1x16xf32> to vector<16xf32>
        %mul3A_379 = arith.mulf %get3A_378, %get3A_352 : vector<16xf32>
        %add3A_380 = arith.addf %mul3A_379, %get3A_348 : vector<16xf32>
        %swap3A_381 = arith.index_cast %add3A_278 : i32 to index
        %swap3A_382 = arith.index_cast %add3A_344 : i32 to index
        %swap3A_383 = tpu.vector_load %arg12[%swap3A_381, %swap3A_382] {strides = array<i32>} : memref<8x1024xf32, #tpu.memory_space<vmem>>, vector<1x16xf32>,
        %swap3A_384 = vector.shape_cast %swap3A_383 : vector<1x16xf32> to vector<16xf32>
        %swap3A_385 = vector.shape_cast %add3A_380 : vector<16xf32> to vector<1x16xf32>
        tpu.vector_store %arg12[%swap3A_381, %swap3A_382], %swap3A_385 {strides = array<i32>} : memref<8x1024xf32, #tpu.memory_space<vmem>>, vector<1x16xf32>,
        %get3A_386 = arith.index_cast %add3A_278 : i32 to index
        %get3A_387 = arith.index_cast %add3A_344 : i32 to index
        %get3A_388 = tpu.vector_load %arg13[%get3A_386, %get3A_387] {strides = array<i32>} : memref<8x1024xf32, #tpu.memory_space<vmem>>, vector<1x16xf32>,
        %get3A_389 = vector.shape_cast %get3A_388 : vector<1x16xf32> to vector<16xf32>
        %mul3A_390 = arith.mulf %get3A_389, %get3A_352 : vector<16xf32>
        %add3A_391 = arith.addf %mul3A_390, %get3A_348 : vector<16xf32>
        %swap3A_392 = arith.index_cast %add3A_278 : i32 to index
        %swap3A_393 = arith.index_cast %add3A_344 : i32 to index
        %swap3A_394 = tpu.vector_load %arg13[%swap3A_392, %swap3A_393] {strides = array<i32>} : memref<8x1024xf32, #tpu.memory_space<vmem>>, vector<1x16xf32>,
        %swap3A_395 = vector.shape_cast %swap3A_394 : vector<1x16xf32> to vector<16xf32>
        %swap3A_396 = vector.shape_cast %add3A_391 : vector<16xf32> to vector<1x16xf32>
        tpu.vector_store %arg13[%swap3A_392, %swap3A_393], %swap3A_396 {strides = array<i32>} : memref<8x1024xf32, #tpu.memory_space<vmem>>, vector<1x16xf32>,
      }
      %scan3A_283 = arith.constant 64 : i32
    }
    %scan3A_187 = arith.constant 8 : i32
    %add3A_188 = arith.constant 8 : i32
    %add3A_189 = arith.addi %mul3A_2, %add3A_188 : i32
    %dma_start3A_190 = arith.constant 0 : i32
    %dma_start3A_191 = arith.constant 0 : i32
    %dma_start3A_192 = tpu.memref_slice %arg5[%dma_start3A_190, %add3A_189, %dma_start3A_191] : memref<4x512x1024xf32, #tpu.memory_space<hbm>> -> memref<1x8x1024xf32, #tpu.memory_space<hbm>>
    %dma_start3A_193 = tpu.memref_squeeze %dma_start3A_192 : memref<1x8x1024xf32, #tpu.memory_space<hbm>> -> memref<8x1024xf32, #tpu.memory_space<hbm>>
    %dma_start3A_194 = arith.constant 0 : i32
    %dma_start3A_195 = tpu.memref_slice %arg5[%dma_start3A_190, %add3A_189, %dma_start3A_194] : memref<4x512x1024xf32, #tpu.memory_space<hbm>> -> memref<1x8x1024xf32, #tpu.memory_space<hbm>>
    %dma_start3A_196 = tpu.memref_squeeze %dma_start3A_195 : memref<1x8x1024xf32, #tpu.memory_space<hbm>> -> memref<8x1024xf32, #tpu.memory_space<hbm>>
    tpu.enqueue_dma source(%arg10 : memref<8x1024xf32, #tpu.memory_space<vmem>>) target(%dma_start3A_196 : memref<8x1024xf32, #tpu.memory_space<hbm>>) target_semaphore(%arg34 : memref<!tpu.dma_semaphore, #tpu.memory_space<semaphore_mem>>)
    %dma_start3A_197 = arith.constant 1 : i32
    %dma_start3A_198 = arith.constant 0 : i32
    %dma_start3A_199 = tpu.memref_slice %arg5[%dma_start3A_197, %add3A_189, %dma_start3A_198] : memref<4x512x1024xf32, #tpu.memory_space<hbm>> -> memref<1x8x1024xf32, #tpu.memory_space<hbm>>
    %dma_start3A_200 = tpu.memref_squeeze %dma_start3A_199 : memref<1x8x1024xf32, #tpu.memory_space<hbm>> -> memref<8x1024xf32, #tpu.memory_space<hbm>>
    %dma_start3A_201 = arith.constant 0 : i32
    %dma_start3A_202 = tpu.memref_slice %arg5[%dma_start3A_197, %add3A_189, %dma_start3A_201] : memref<4x512x1024xf32, #tpu.memory_space<hbm>> -> memref<1x8x1024xf32, #tpu.memory_space<hbm>>
    %dma_start3A_203 = tpu.memref_squeeze %dma_start3A_202 : memref<1x8x1024xf32, #tpu.memory_space<hbm>> -> memref<8x1024xf32, #tpu.memory_space<hbm>>
    tpu.enqueue_dma source(%arg11 : memref<8x1024xf32, #tpu.memory_space<vmem>>) target(%dma_start3A_203 : memref<8x1024xf32, #tpu.memory_space<hbm>>) target_semaphore(%arg35 : memref<!tpu.dma_semaphore, #tpu.memory_space<semaphore_mem>>)
    %dma_start3A_204 = arith.constant 2 : i32
    %dma_start3A_205 = arith.constant 0 : i32
    %dma_start3A_206 = tpu.memref_slice %arg5[%dma_start3A_204, %add3A_189, %dma_start3A_205] : memref<4x512x1024xf32, #tpu.memory_space<hbm>> -> memref<1x8x1024xf32, #tpu.memory_space<hbm>>
    %dma_start3A_207 = tpu.memref_squeeze %dma_start3A_206 : memref<1x8x1024xf32, #tpu.memory_space<hbm>> -> memref<8x1024xf32, #tpu.memory_space<hbm>>
    %dma_start3A_208 = arith.constant 0 : i32
    %dma_start3A_209 = tpu.memref_slice %arg5[%dma_start3A_204, %add3A_189, %dma_start3A_208] : memref<4x512x1024xf32, #tpu.memory_space<hbm>> -> memref<1x8x1024xf32, #tpu.memory_space<hbm>>
    %dma_start3A_210 = tpu.memref_squeeze %dma_start3A_209 : memref<1x8x1024xf32, #tpu.memory_space<hbm>> -> memref<8x1024xf32, #tpu.memory_space<hbm>>
    tpu.enqueue_dma source(%arg12 : memref<8x1024xf32, #tpu.memory_space<vmem>>) target(%dma_start3A_210 : memref<8x1024xf32, #tpu.memory_space<hbm>>) target_semaphore(%arg36 : memref<!tpu.dma_semaphore, #tpu.memory_space<semaphore_mem>>)
    %dma_start3A_211 = arith.constant 3 : i32
    %dma_start3A_212 = arith.constant 0 : i32
    %dma_start3A_213 = tpu.memref_slice %arg5[%dma_start3A_211, %add3A_189, %dma_start3A_212] : memref<4x512x1024xf32, #tpu.memory_space<hbm>> -> memref<1x8x1024xf32, #tpu.memory_space<hbm>>
    %dma_start3A_214 = tpu.memref_squeeze %dma_start3A_213 : memref<1x8x1024xf32, #tpu.memory_space<hbm>> -> memref<8x1024xf32, #tpu.memory_space<hbm>>
    %dma_start3A_215 = arith.constant 0 : i32
    %dma_start3A_216 = tpu.memref_slice %arg5[%dma_start3A_211, %add3A_189, %dma_start3A_215] : memref<4x512x1024xf32, #tpu.memory_space<hbm>> -> memref<1x8x1024xf32, #tpu.memory_space<hbm>>
    %dma_start3A_217 = tpu.memref_squeeze %dma_start3A_216 : memref<1x8x1024xf32, #tpu.memory_space<hbm>> -> memref<8x1024xf32, #tpu.memory_space<hbm>>
    tpu.enqueue_dma source(%arg13 : memref<8x1024xf32, #tpu.memory_space<vmem>>) target(%dma_start3A_217 : memref<8x1024xf32, #tpu.memory_space<hbm>>) target_semaphore(%arg37 : memref<!tpu.dma_semaphore, #tpu.memory_space<semaphore_mem>>)
    %dma_wait3A_218 = arith.constant 0 : i32
    %dma_wait3A_219 = arith.constant 0 : i32
    %dma_wait3A_220 = tpu.memref_slice %arg5[%dma_wait3A_218, %add3A_118, %dma_wait3A_219] : memref<4x512x1024xf32, #tpu.memory_space<hbm>> -> memref<1x8x1024xf32, #tpu.memory_space<hbm>>
    %dma_wait3A_221 = tpu.memref_squeeze %dma_wait3A_220 : memref<1x8x1024xf32, #tpu.memory_space<hbm>> -> memref<8x1024xf32, #tpu.memory_space<hbm>>
    %dma_wait3A_222 = arith.constant 0 : i32
    %dma_wait3A_223 = tpu.memref_slice %arg5[%dma_wait3A_218, %add3A_118, %dma_wait3A_222] : memref<4x512x1024xf32, #tpu.memory_space<hbm>> -> memref<1x8x1024xf32, #tpu.memory_space<hbm>>
    %dma_wait3A_224 = tpu.memref_squeeze %dma_wait3A_223 : memref<1x8x1024xf32, #tpu.memory_space<hbm>> -> memref<8x1024xf32, #tpu.memory_space<hbm>>
    tpu.wait_dma2 semaphore(%arg30 : memref<!tpu.dma_semaphore, #tpu.memory_space<semaphore_mem>>) src(%arg6 : memref<8x1024xf32, #tpu.memory_space<vmem>>) dst(%dma_wait3A_224 : memref<8x1024xf32, #tpu.memory_space<hbm>>)
    %dma_wait3A_225 = arith.constant 1 : i32
    %dma_wait3A_226 = arith.constant 0 : i32
    %dma_wait3A_227 = tpu.memref_slice %arg5[%dma_wait3A_225, %add3A_118, %dma_wait3A_226] : memref<4x512x1024xf32, #tpu.memory_space<hbm>> -> memref<1x8x1024xf32, #tpu.memory_space<hbm>>
    %dma_wait3A_228 = tpu.memref_squeeze %dma_wait3A_227 : memref<1x8x1024xf32, #tpu.memory_space<hbm>> -> memref<8x1024xf32, #tpu.memory_space<hbm>>
    %dma_wait3A_229 = arith.constant 0 : i32
    %dma_wait3A_230 = tpu.memref_slice %arg5[%dma_wait3A_225, %add3A_118, %dma_wait3A_229] : memref<4x512x1024xf32, #tpu.memory_space<hbm>> -> memref<1x8x1024xf32, #tpu.memory_space<hbm>>
    %dma_wait3A_231 = tpu.memref_squeeze %dma_wait3A_230 : memref<1x8x1024xf32, #tpu.memory_space<hbm>> -> memref<8x1024xf32, #tpu.memory_space<hbm>>
    tpu.wait_dma2 semaphore(%arg31 : memref<!tpu.dma_semaphore, #tpu.memory_space<semaphore_mem>>) src(%arg7 : memref<8x1024xf32, #tpu.memory_space<vmem>>) dst(%dma_wait3A_231 : memref<8x1024xf32, #tpu.memory_space<hbm>>)
    %dma_wait3A_232 = arith.constant 2 : i32
    %dma_wait3A_233 = arith.constant 0 : i32
    %dma_wait3A_234 = tpu.memref_slice %arg5[%dma_wait3A_232, %add3A_118, %dma_wait3A_233] : memref<4x512x1024xf32, #tpu.memory_space<hbm>> -> memref<1x8x1024xf32, #tpu.memory_space<hbm>>
    %dma_wait3A_235 = tpu.memref_squeeze %dma_wait3A_234 : memref<1x8x1024xf32, #tpu.memory_space<hbm>> -> memref<8x1024xf32, #tpu.memory_space<hbm>>
    %dma_wait3A_236 = arith.constant 0 : i32
    %dma_wait3A_237 = tpu.memref_slice %arg5[%dma_wait3A_232, %add3A_118, %dma_wait3A_236] : memref<4x512x1024xf32, #tpu.memory_space<hbm>> -> memref<1x8x1024xf32, #tpu.memory_space<hbm>>
    %dma_wait3A_238 = tpu.memref_squeeze %dma_wait3A_237 : memref<1x8x1024xf32, #tpu.memory_space<hbm>> -> memref<8x1024xf32, #tpu.memory_space<hbm>>
    tpu.wait_dma2 semaphore(%arg32 : memref<!tpu.dma_semaphore, #tpu.memory_space<semaphore_mem>>) src(%arg8 : memref<8x1024xf32, #tpu.memory_space<vmem>>) dst(%dma_wait3A_238 : memref<8x1024xf32, #tpu.memory_space<hbm>>)
    %dma_wait3A_239 = arith.constant 3 : i32
    %dma_wait3A_240 = arith.constant 0 : i32
    %dma_wait3A_241 = tpu.memref_slice %arg5[%dma_wait3A_239, %add3A_118, %dma_wait3A_240] : memref<4x512x1024xf32, #tpu.memory_space<hbm>> -> memref<1x8x1024xf32, #tpu.memory_space<hbm>>
    %dma_wait3A_242 = tpu.memref_squeeze %dma_wait3A_241 : memref<1x8x1024xf32, #tpu.memory_space<hbm>> -> memref<8x1024xf32, #tpu.memory_space<hbm>>
    %dma_wait3A_243 = arith.constant 0 : i32
    %dma_wait3A_244 = tpu.memref_slice %arg5[%dma_wait3A_239, %add3A_118, %dma_wait3A_243] : memref<4x512x1024xf32, #tpu.memory_space<hbm>> -> memref<1x8x1024xf32, #tpu.memory_space<hbm>>
    %dma_wait3A_245 = tpu.memref_squeeze %dma_wait3A_244 : memref<1x8x1024xf32, #tpu.memory_space<hbm>> -> memref<8x1024xf32, #tpu.memory_space<hbm>>
    tpu.wait_dma2 semaphore(%arg33 : memref<!tpu.dma_semaphore, #tpu.memory_space<semaphore_mem>>) src(%arg9 : memref<8x1024xf32, #tpu.memory_space<vmem>>) dst(%dma_wait3A_245 : memref<8x1024xf32, #tpu.memory_space<hbm>>)
    %dma_wait3A_246 = arith.constant 0 : i32
    %dma_wait3A_247 = arith.constant 0 : i32
    %dma_wait3A_248 = tpu.memref_slice %arg5[%dma_wait3A_246, %add3A_189, %dma_wait3A_247] : memref<4x512x1024xf32, #tpu.memory_space<hbm>> -> memref<1x8x1024xf32, #tpu.memory_space<hbm>>
    %dma_wait3A_249 = tpu.memref_squeeze %dma_wait3A_248 : memref<1x8x1024xf32, #tpu.memory_space<hbm>> -> memref<8x1024xf32, #tpu.memory_space<hbm>>
    %dma_wait3A_250 = arith.constant 0 : i32
    %dma_wait3A_251 = tpu.memref_slice %arg5[%dma_wait3A_246, %add3A_189, %dma_wait3A_250] : memref<4x512x1024xf32, #tpu.memory_space<hbm>> -> memref<1x8x1024xf32, #tpu.memory_space<hbm>>
    %dma_wait3A_252 = tpu.memref_squeeze %dma_wait3A_251 : memref<1x8x1024xf32, #tpu.memory_space<hbm>> -> memref<8x1024xf32, #tpu.memory_space<hbm>>
    tpu.wait_dma2 semaphore(%arg34 : memref<!tpu.dma_semaphore, #tpu.memory_space<semaphore_mem>>) src(%arg10 : memref<8x1024xf32, #tpu.memory_space<vmem>>) dst(%dma_wait3A_252 : memref<8x1024xf32, #tpu.memory_space<hbm>>)
    %dma_wait3A_253 = arith.constant 1 : i32
    %dma_wait3A_254 = arith.constant 0 : i32
    %dma_wait3A_255 = tpu.memref_slice %arg5[%dma_wait3A_253, %add3A_189, %dma_wait3A_254] : memref<4x512x1024xf32, #tpu.memory_space<hbm>> -> memref<1x8x1024xf32, #tpu.memory_space<hbm>>
    %dma_wait3A_256 = tpu.memref_squeeze %dma_wait3A_255 : memref<1x8x1024xf32, #tpu.memory_space<hbm>> -> memref<8x1024xf32, #tpu.memory_space<hbm>>
    %dma_wait3A_257 = arith.constant 0 : i32
    %dma_wait3A_258 = tpu.memref_slice %arg5[%dma_wait3A_253, %add3A_189, %dma_wait3A_257] : memref<4x512x1024xf32, #tpu.memory_space<hbm>> -> memref<1x8x1024xf32, #tpu.memory_space<hbm>>
    %dma_wait3A_259 = tpu.memref_squeeze %dma_wait3A_258 : memref<1x8x1024xf32, #tpu.memory_space<hbm>> -> memref<8x1024xf32, #tpu.memory_space<hbm>>
    tpu.wait_dma2 semaphore(%arg35 : memref<!tpu.dma_semaphore, #tpu.memory_space<semaphore_mem>>) src(%arg11 : memref<8x1024xf32, #tpu.memory_space<vmem>>) dst(%dma_wait3A_259 : memref<8x1024xf32, #tpu.memory_space<hbm>>)
    %dma_wait3A_260 = arith.constant 2 : i32
    %dma_wait3A_261 = arith.constant 0 : i32
    %dma_wait3A_262 = tpu.memref_slice %arg5[%dma_wait3A_260, %add3A_189, %dma_wait3A_261] : memref<4x512x1024xf32, #tpu.memory_space<hbm>> -> memref<1x8x1024xf32, #tpu.memory_space<hbm>>
    %dma_wait3A_263 = tpu.memref_squeeze %dma_wait3A_262 : memref<1x8x1024xf32, #tpu.memory_space<hbm>> -> memref<8x1024xf32, #tpu.memory_space<hbm>>
    %dma_wait3A_264 = arith.constant 0 : i32
    %dma_wait3A_265 = tpu.memref_slice %arg5[%dma_wait3A_260, %add3A_189, %dma_wait3A_264] : memref<4x512x1024xf32, #tpu.memory_space<hbm>> -> memref<1x8x1024xf32, #tpu.memory_space<hbm>>
    %dma_wait3A_266 = tpu.memref_squeeze %dma_wait3A_265 : memref<1x8x1024xf32, #tpu.memory_space<hbm>> -> memref<8x1024xf32, #tpu.memory_space<hbm>>
    tpu.wait_dma2 semaphore(%arg36 : memref<!tpu.dma_semaphore, #tpu.memory_space<semaphore_mem>>) src(%arg12 : memref<8x1024xf32, #tpu.memory_space<vmem>>) dst(%dma_wait3A_266 : memref<8x1024xf32, #tpu.memory_space<hbm>>)
    %dma_wait3A_267 = arith.constant 3 : i32
    %dma_wait3A_268 = arith.constant 0 : i32
    %dma_wait3A_269 = tpu.memref_slice %arg5[%dma_wait3A_267, %add3A_189, %dma_wait3A_268] : memref<4x512x1024xf32, #tpu.memory_space<hbm>> -> memref<1x8x1024xf32, #tpu.memory_space<hbm>>
    %dma_wait3A_270 = tpu.memref_squeeze %dma_wait3A_269 : memref<1x8x1024xf32, #tpu.memory_space<hbm>> -> memref<8x1024xf32, #tpu.memory_space<hbm>>
    %dma_wait3A_271 = arith.constant 0 : i32
    %dma_wait3A_272 = tpu.memref_slice %arg5[%dma_wait3A_267, %add3A_189, %dma_wait3A_271] : memref<4x512x1024xf32, #tpu.memory_space<hbm>> -> memref<1x8x1024xf32, #tpu.memory_space<hbm>>
    %dma_wait3A_273 = tpu.memref_squeeze %dma_wait3A_272 : memref<1x8x1024xf32, #tpu.memory_space<hbm>> -> memref<8x1024xf32, #tpu.memory_space<hbm>>
    tpu.wait_dma2 semaphore(%arg37 : memref<!tpu.dma_semaphore, #tpu.memory_space<semaphore_mem>>) src(%arg13 : memref<8x1024xf32, #tpu.memory_space<vmem>>) dst(%dma_wait3A_273 : memref<8x1024xf32, #tpu.memory_space<hbm>>)
    return
  }
}

module attributes {stable_mosaic.version = 14 : i64} {
  func.func @body(%arg0: i32, %arg1: i32, %arg2: memref<1x256x1024xf32, #tpu.memory_space<vmem>>, %arg3: memref<256x1024xf32, #tpu.memory_space<vmem>>, %arg4: memref<256x1024xf32, #tpu.memory_space<vmem>>, %arg5: memref<1x256x1024xf32, #tpu.memory_space<vmem>>) attributes {dimension_semantics = [#tpu.dimension_semantics<arbitrary>, #tpu.dimension_semantics<arbitrary>], iteration_bounds = array<i64: 6, 4>, scalar_prefetch = 0 : i64, scratch_operands = 0 : i64, tpu.core_type = #tpu.core_type<tc>, window_params = [{transform_indices = @transform_0, window_bounds = array<i64: 1, 256, 1024>}, {transform_indices = @transform_1, window_bounds = array<i64: 256, 1024>}, {transform_indices = @transform_2, window_bounds = array<i64: 256, 1024>}, {transform_indices = @transform_3, window_bounds = array<i64: 1, 256, 1024>}]} {
    %get3A = arith.constant 0 : index
    %get3A_0 = arith.constant 0 : index
    %get3A_1 = arith.constant 0 : index
    %get3A_2 = vector.load %arg2[%get3A, %get3A_0, %get3A_1] : memref<1x256x1024xf32, #tpu.memory_space<vmem>>, vector<1x256x1024xf32>
    %get3A_3 = arith.constant 0 : index
    %get3A_4 = arith.constant 0 : index
    %get3A_5 = vector.load %arg4[%get3A_3, %get3A_4] : memref<256x1024xf32, #tpu.memory_space<vmem>>, vector<256x1024xf32>
    %broadcast_in_dim3A = vector.shape_cast %get3A_5 : vector<256x1024xf32> to vector<1x256x1024xf32>
    %mul3A = arith.mulf %get3A_2, %broadcast_in_dim3A : vector<1x256x1024xf32>
    %get3A_6 = arith.constant 0 : index
    %get3A_7 = arith.constant 0 : index
    %get3A_8 = vector.load %arg3[%get3A_6, %get3A_7] : memref<256x1024xf32, #tpu.memory_space<vmem>>, vector<256x1024xf32>
    %broadcast_in_dim3A_9 = vector.shape_cast %get3A_8 : vector<256x1024xf32> to vector<1x256x1024xf32>
    %add3A = arith.addf %mul3A, %broadcast_in_dim3A_9 : vector<1x256x1024xf32>
    %swap3A = arith.constant 0 : index
    %swap3A_10 = arith.constant 0 : index
    %swap3A_11 = arith.constant 0 : index
    %swap3A_12 = vector.load %arg5[%swap3A, %swap3A_10, %swap3A_11] : memref<1x256x1024xf32, #tpu.memory_space<vmem>>, vector<1x256x1024xf32>
    tpu.vector_store %arg5[%swap3A, %swap3A_10, %swap3A_11], %add3A {strides = array<i32>} : memref<1x256x1024xf32, #tpu.memory_space<vmem>>, vector<1x256x1024xf32>,
    return
  }
  func.func @transform_0(%arg0: i32, %arg1: i32) -> (i32, i32, i32) {
    %add3A = arith.constant 2 : i32
    %add3A_0 = arith.addi %arg0, %add3A : i32
    %c0_i32 = arith.constant 0 : i32
    %c0_i32_1 = arith.constant 0 : i32
    return %arg1, %add3A_0, %c0_i32 : i32, i32, i32
  }
  func.func @transform_1(%arg0: i32, %arg1: i32) -> (i32, i32) {
    %add3A = arith.constant 2 : i32
    %add3A_0 = arith.addi %arg0, %add3A : i32
    %c0_i32 = arith.constant 0 : i32
    %c0_i32_1 = arith.constant 0 : i32
    return %add3A_0, %c0_i32 : i32, i32
  }
  func.func @transform_2(%arg0: i32, %arg1: i32) -> (i32, i32) {
    %add3A = arith.constant 2 : i32
    %add3A_0 = arith.addi %arg0, %add3A : i32
    %c0_i32 = arith.constant 0 : i32
    %c0_i32_1 = arith.constant 0 : i32
    return %add3A_0, %c0_i32 : i32, i32
  }
  func.func @transform_3(%arg0: i32, %arg1: i32) -> (i32, i32, i32) {
    %add3A = arith.constant 2 : i32
    %add3A_0 = arith.addi %arg0, %add3A : i32
    %c0_i32 = arith.constant 0 : i32
    %c0_i32_1 = arith.constant 0 : i32
    return %arg1, %add3A_0, %c0_i32 : i32, i32, i32
  }
}

</mosaic_0001>

<sc_bundles>
// kernel: kernel.4.cloned.1.call-start
scs
__scs_entry_jumppad:
0x0: {  	(pc) =	sbr.rel $0x88, $3  }
0x1: {  	(tag) =	ssettag $0x0;
	lr =	simm.s32 $0x1  }
0x2: {  	[smem:$0x3F9E] =	sst lr;
	_ =	strace $0xD0000000  }
0x3: {  	_ = 	snop  }
0x4: {  	_ = 	snop  }
0x5: {  	_ = 	snop  }
0x6: {  	_ = 	snop  }
0x7: {  	_ = 	snop  }
__scs_overlays_trampoline_lowered:
0x8: {  	[smem:$0x3FAD] =	sst s0  }
0x9: {  	[smem:$0x3FAE] =	sst s1  }
0xa: {  	[smem:$0x3FAF] =	sst s2  }
0xb: {  	[smem:$0x3FB0] =	sst s3  }
0xc: {  	[smem:$0x3FB1] =	sst s4  }
0xd: {  	[smem:$0x3FB2] =	sst s5  }
0xe: {  	[smem:$0x3FB3] =	sst s6  }
0xf: {  	[smem:$0x3FB4] =	sst s7  }
0x10: {  	[smem:$0x3FB5] =	sst s8  }
0x11: {  	[smem:$0x3FB6] =	sst s9;
	s0 =	simm.s32 @!p0 $0x0  }
0x12: {  	s1 =	sld [smem:$0x3F9C];
	s0 =	simm.s32 @p0 $0x1  }
0x13: {  	[smem:$0x3FB7] =	sst s0;
	s0 =	simm.s32 @!p1 $0x0  }
0x14: {  	s2 =	sld [smem:$0x3F9B];
	s0 =	simm.s32 @p1 $0x1  }
0x15: {  	[smem:$0x3FB8] =	sst s0;
	s0 =	simm.s32 @!p2 $0x0  }
0x16: {  	s3 =	sld [smem:$0x3FDB];
	s0 =	simm.s32 @p2 $0x1  }
0x17: {  	s4 =	simm.s32 $0x1BF5;
	[smem:$0x3FBA] =	sst s0  }
0x18: {  	s0 =	sld [smem:$0x3F9D];
	_ =	swait.ge [sflag:s4], $0x0  }
0x19: {  	s7 =	sld [smem:$0x3F9E]  }
0x1a: {  	s8 =	sadd.s32 $0xFFFFE003, lr  }
0x1b: {  	s9 =	sadd.s32 $0xFFFFFEF7, lr;
	s5 =	simm.s32 $0xFFFFFFFF;
	p2 =	slt.u32 s8, $0xFFFFF086  }
0x1c: {  	p1 =	slt.u32 s9, $0xF7A;
	s5 =	simm.s32 @!p2 $0x0  }
0x1d: {  	s5 =	simm.s32 @p1 $0x1;
	p0 =	seq.s32 s7, s2  }
0x1e: {  	s7 =	smul.u32 @!p0 $0xF7A, s2;
	p2 =	seq.s32 @!p0 s5, $0x0  }
0x1f: {  	s9 =	smul.u32 $0xF7A, s1;
	s8 =	simm.s32 @!p0 $0x1BF5;
	p2 =	por !p2, p0  }
0x20: {  	[sflag:s8] =	ssyncset.s32 @!p0 $0xFFFFF086;
	s6 =	sadd.s32 @!p0 s3, s7;
	s7 =	simm.s32 @!p0 $0x108  }
0x21: {  	s3 =	sadd.s32 s3, s9;
	s6 =	sadd.s32 @!p0 $0x88, s6;
	s7 =	simm.s32 @p2 $0x1082  }
0x22: {  	[simem:s7], [sflag:s8] =	dma.local @!p0 [hbm:s6], $0xF7A  }
0x23: {  	s9 =	sor.u32 $0xD0000000, s2;
	s6 =	simm.s32 $0x108;
	_ =	swait.ge @!p0 [sflag:s8], $0x0  }
0x24: {  	s3 =	sadd.s32 $0x88, s3;
	s6 =	simm.s32 @!p1 $0x1082;
	[sflag:s4] =	ssyncset.s32 $0xFFFFF086  }
0x25: {  	[simem:s6], [sflag:s4] =	dma.local [hbm:s3], $0xF7A  }
0x26: {  	[smem:$0x3F9E] =	sst s1;
	(tag) =	ssettag s2;
	_ =	strace s9  }
0x27: {  	s1 =	sld [smem:$0x3FAE]  }
0x28: {  	s2 =	sld [smem:$0x3FAF]  }
0x29: {  	s4 =	sld [smem:$0x3FB1]  }
0x2a: {  	p0 =	seq.s32 s5, $0x0;
	s5 =	sld [smem:$0x3FB2]  }
0x2b: {  	s6 =	sld [smem:$0x3FB3]  }
0x2c: {  	s7 =	sld [smem:$0x3FB4]  }
0x2d: {  	s3 =	simm.s32 $0x108;
	s8 =	sld [smem:$0x3FB5]  }
0x2e: {  	s3 =	simm.s32 @!p0 $0x1082;
	s9 =	sld [smem:$0x3FB6]  }
0x2f: {  	lr =	sadd.s32 s0, s3;
	s0 =	sld [smem:$0x3FAD]  }
0x30: {  	s3 =	sld [smem:$0x3FB0]  }
0x31: {  	[smem:$0x3FB9] =	sst s10  }
0x32: {  	s10 =	sld [smem:$0x3FB7];
	_ =	sdelay $0x3  }
0x33: {  	p0 =	seq.s32 s10, $0x1;
	s10 =	sld [smem:$0x3FB9];
	_ =	sdelay $0x3  }
0x34: {  	[smem:$0x3FB9] =	sst s10  }
0x35: {  	s10 =	sld [smem:$0x3FB8];
	_ =	sdelay $0x3  }
0x36: {  	p1 =	seq.s32 s10, $0x1;
	s10 =	sld [smem:$0x3FB9];
	_ =	sdelay $0x3  }
0x37: {  	[smem:$0x3FB9] =	sst s10  }
0x38: {  	s10 =	sld [smem:$0x3FBA]  }
0x39: {  	_ = 	snop;
	(pc) =	sbr.ind lr, $3  }
0x3a: {  	_ = 	snop  }
0x3b: {  	_ = 	snop  }
0x3c: {  	p2 =	seq.s32 s10, $0x1;
	s10 =	sld [smem:$0x3FB9]  }
0x3d: {  	_ =	shalt  }
0x3e: {  	_ =	shalt  }
0x3f: {  	_ =	shalt  }
0x40: {  	_ =	shalt  }
0x41: {  	_ =	shalt  }
0x42: {  	_ =	shalt  }
0x43: {  	_ =	shalt  }
0x44: {  	_ =	shalt  }
0x45: {  	_ =	shalt  }
0x46: {  	_ =	shalt  }
0x47: {  	_ =	shalt  }
0x48: {  	_ =	shalt  }
0x49: {  	_ =	shalt  }
0x4a: {  	_ =	shalt  }
0x4b: {  	_ =	shalt  }
0x4c: {  	_ =	shalt  }
0x4d: {  	_ =	shalt  }
0x4e: {  	_ =	shalt  }
0x4f: {  	_ =	shalt  }
0x50: {  	_ =	shalt  }
0x51: {  	_ =	shalt  }
0x52: {  	_ =	shalt  }
0x53: {  	_ =	shalt  }
0x54: {  	_ =	shalt  }
0x55: {  	_ =	shalt  }
0x56: {  	_ =	shalt  }
0x57: {  	_ =	shalt  }
0x58: {  	_ =	shalt  }
0x59: {  	_ =	shalt  }
0x5a: {  	_ =	shalt  }
0x5b: {  	_ =	shalt  }
0x5c: {  	_ =	shalt  }
0x5d: {  	_ =	shalt  }
0x5e: {  	_ =	shalt  }
0x5f: {  	_ =	shalt  }
0x60: {  	_ =	shalt  }
0x61: {  	_ =	shalt  }
0x62: {  	_ =	shalt  }
0x63: {  	_ =	shalt  }
0x64: {  	_ =	shalt  }
0x65: {  	_ =	shalt  }
0x66: {  	_ =	shalt  }
0x67: {  	_ =	shalt  }
0x68: {  	_ =	shalt  }
0x69: {  	_ =	shalt  }
0x6a: {  	_ =	shalt  }
0x6b: {  	_ =	shalt  }
0x6c: {  	_ =	shalt  }
0x6d: {  	_ =	shalt  }
0x6e: {  	_ =	shalt  }
0x6f: {  	_ =	shalt  }
0x70: {  	_ =	shalt  }
0x71: {  	_ =	shalt  }
0x72: {  	_ =	shalt  }
0x73: {  	_ =	shalt  }
0x74: {  	_ =	shalt  }
0x75: {  	_ =	shalt  }
0x76: {  	_ =	shalt  }
0x77: {  	_ =	shalt  }
0x78: {  	_ =	shalt  }
0x79: {  	_ =	shalt  }
0x7a: {  	_ =	shalt  }
0x7b: {  	_ =	shalt  }
0x7c: {  	_ =	shalt  }
0x7d: {  	_ =	shalt  }
0x7e: {  	_ =	shalt  }
0x7f: {  	_ =	shalt  }
0x80: {  	_ =	shalt  }
0x81: {  	_ =	shalt  }
0x82: {  	_ =	shalt  }
0x83: {  	_ =	shalt  }
0x84: {  	_ =	shalt  }
0x85: {  	_ =	shalt  }
0x86: {  	_ =	shalt  }
0x87: {  	_ =	shalt  }
.Lfunc_end0:
.L_simem_size_0:
called_computation_lowered:
.L_overlay_start_0:
0x88: {  	s2 =	sld [smem:$0x3FD9]  }
0x89: {  	s3 =	sld [smem:$0x3FFE];
	_ =	sdelay $0x1  }
0x8a: {  	s1 =	srdreg.scid  }
0x8b: {  	s0 =	sand.u32 $0x1, s1  }
0x8c: {  	s17 =	sshll.u32 s0, $0xA;
	s2 =	sadd.s32 s3, s2  }
0x8d: {  	s2 =	sadd.s32 s2, s17  }
0x8e: {  	[smem:$0x3FC5] =	sst s2  }
0x8f: {  	_ = 	snop  }
0x90: {  	s2 =	sld [smem:$0x3FC9]  }
0x91: {  	s18 =	sld [smem:$0x3FC8]  }
0x92: {  	s4 =	sld [smem:$0x3FC7];
	(tm) =	ssettm $0x1  }
0x93: {  	s5 =	sld [smem:$0x3FFB];
	_ =	sdelay $0x3  }
0x94: {  	_ =	strace s5  }
0x95: {  	s5 =	sld [smem:$0x3FFC];
	_ =	sdelay $0x3  }
0x96: {  	_ =	strace s5  }
0x97: {  	s5 =	sld [smem:$0x3FFD];
	_ =	sdelay $0x3  }
0x98: {  	_ =	strace s5  }
0x99: {  	_ =	strace $0x8FFFFFFF  }
0x9a: {  	s19 =	sld [smem:$0x3FDB];
	_ =	sdelay $0x1  }
0x9b: {  	s6 =	simm.s32 $_scs_section_size  }
0x9c: {  	s7 =	simm.s32 $_size__tile_overlayer_lowered;
	s8 =	simm.s32 $_tile_overlayer_lowered  }
0x9d: {  	s22 =	simm.s32 $0x1BFF;
	s21 =	sshll.u32 s8, $0x1;
	s5 =	sadd.s32 s6, s19  }
0x9e: {  	s9 =	simm.s32 $0x0;
	s20 =	sshll.u32 s7, $0x1;
	s7 =	sadd.s32 s21, s5  }
0x9f: {  	[timem:s9], [sflag:s22] =	dma.local [hbm:s7], s20  }
0xa0: {  	_ =	swait.ge [sflag:s22], s20  }
0xa1: {  	s6 =	ssub.s32 $0x0, s20;
	[sflag:s22] =	ssyncset.done $0x0  }
0xa2: {  	[sflag:s22] =	ssyncadd.s32 s6;
	_ =	sdelay $0x1  }
0xa3: {  	s23 =	simm.s32 $0x1B8B  }
0xa4: {  	_ =	swait.ge [sflag:s23], $0x1  }
0xa5: {  	[sflag:s23] =	ssyncset.done $0x0  }
0xa6: {  	s25 =	simm.s32 $0x1B8E;
	s24 =	sld [smem:$0x3FFE];
	[sflag:s23] =	ssyncadd.s32 $0xFFFFFFFF  }
0xa7: {  	s26 =	simm.s32 $execute0_lowered;
	[smem:$0x3FD2] =	sst s25  }
0xa8: {  	s7 =	sshll.u32 s26, $0x1;
	_ =	strace $0x80000046;
	[dreg:$0x1] =	wrdreg $0xFFFFFFFF  }
0xa9: {  	s28 =	simm.s32 $_size_execute0_lowered;
	s5 =	sadd.s32 s5, s7;
	[dreg:$0x0] =	wrdreg $0x0  }
0xaa: {  	s7 =	sshll.u32 s28, $0x1;
	[dreg:$0x2] =	wrdreg s5  }
0xab: {  	[dreg:$0x3] =	wrdreg s7  }
0xac: {  	[dreg:$0x4] =	wrdreg $0xC0  }
0xad: {  	_ =	task [dreg:s9], $0x5FFFF  }
0xae: {  	[dreg:$0x1] =	wrdreg $0xFFFFFFFF  }
0xaf: {  	[dreg:$0x0] =	wrdreg $0x60  }
0xb0: {  	[dreg:$0x2] =	wrdreg s2  }
0xb1: {  	[dreg:$0x3] =	wrdreg s18  }
0xb2: {  	[dreg:$0x4] =	wrdreg s4  }
0xb3: {  	[dreg:$0x5] =	wrdreg s24  }
0xb4: {  	[dreg:$0x6] =	wrdreg $0x9  }
0xb5: {  	_ =	task.clear_ibuf [dreg:s9], $0x7FFFF;
	_ =	strace $0x90000046  }
0xb6: {  	s29 =	simm.s32 $0x9;
	_ =	strace $0x80000048  }
0xb7: {  	_ =	swait.ge [sflag:s29], $0x1  }
0xb8: {  	[sflag:s29] =	ssyncadd.s32 $0xFFFFFFFF  }
0xb9: {  	_ =	strace $0x90000048  }
0xba: {  	_ =	sfence  }
0xbb: {  	s30 =	sld [smem:$0x0];
	_ =	sdelay $0x2  }
0xbc: {  	s31 =	sshll.u32 s1, $0xD;
	s1 =	sshrl.u32 s1, $0x2  }
0xbd: {  	s3 =	sand.u32 $0x4000, s31;
	s1 =	sadd.s32 s1, s30  }
0xbe: {  	s0 =	sor.u32 s3, s0;
	s1 =	sshll.u32 s1, $0x11  }
0xbf: {  	s0 =	sor.u32 s1, s0  }
0xc0: {  	s0 =	sadd.s32 $0x8F2B, s0  }
0xc1: {  	[sflag:s0] =	ssyncadd.remote.s32 $0x1  }
0xc2: {  	_ =	sfence.sel $0xFFFF  }
0xc3: {  	[dreg:$0x0] =	wrdreg $0xFFFFFFFF;
	(pc) =	sbr.abs _section_cstart, $3  }
0xc4: {  	[dreg:$0x1] =	wrdreg $0xFFFFFFFF  }
0xc5: {  	_ =	task.clear_ibuf [dreg:s9], $0x2FFFF;
	_ =	strace $0x9FFFFFFF  }
0xc6: {  	(tm) =	ssettm $0x7FFFFFFF  }
0xc7: {  	_ =	shalt  }
tec
execute0_lowered:
.L_overlay_start_1:
0x0: {  	(tag) =	ssettag $0x1  }
0x1: {  	s0 =	rddreg [dreg:$0x0];
	s5 =	srdreg.scid  }
0x2: {  	s1 =	rddreg [dreg:$0x1];
	s6 =	stileid.u32;
	s5 =	sand.u32 $0x1, s5  }
0x3: {  	s3 =	rddreg [dreg:$0x2];
	s6 =	sshll.u32 s6, $0xC;
	s7 =	sshll.u32 s5, $0xB  }
0x4: {  	s4 =	rddreg [dreg:$0x3];
	s2 =	simm.s32 $0x0;
	s6 =	sor.u32 s7, s6  }
0x5: {  	[smem:$0x7FF] =	sst s2;
	s17 =	sadd.s32 s1, s6  }
0x6: {  	_ =	strace $0x80000047;
	s9 =	sadd.s32 s3, s6;
	[dreg:$0x9] =	wrdreg s17  }
0x7: {  	s4 =	sadd.s32 $0x800, s4;
	s8 =	sadd.s32 s0, s6;
	[dreg:$0xa] =	wrdreg s9  }
0x8: {  	s22 =	sadd.s32 s4, s6;
	[dreg:$0x5] =	wrdreg s8  }
0x9: {  	s10 =	simm.s32 $0x7;
	s14 =	sadd.s32 $0x40000, s8;
	[dreg:$0xf] =	wrdreg s22  }
0xa: {  	s11 =	simm.s32 $0x8;
	s15 =	sadd.s32 $0x80000, s8;
	[dreg:$0x6] =	wrdreg s14  }
0xb: {  	s18 =	sor.u32 $0x400, s6;
	s16 =	sadd.s32 $0xC0000, s8;
	[dreg:$0x7] =	wrdreg s15  }
0xc: {  	s12 =	simm.s32 $0xB;
	s0 =	sadd.s32 s0, s18;
	[dreg:$0x8] =	wrdreg s16  }
0xd: {  	s5 =	ssub.s32 $0x2, s5;
	s19 =	sadd.s32 $0x40400, s8;
	[dreg:$0xb] =	wrdreg s0  }
0xe: {  	s13 =	sshrl.u32 s5, $0x1;
	s20 =	sadd.s32 $0x80400, s8;
	[dreg:$0xc] =	wrdreg s19  }
0xf: {  	s7 =	simm.s32 $0xA;
	s21 =	sadd.s32 $0xC0400, s8;
	[dreg:$0xd] =	wrdreg s20  }
0x10: {  	s5 =	ssub.s32 s5, s13;
	s1 =	sadd.s32 s1, s18;
	[dreg:$0xe] =	wrdreg s21  }
0x11: {  	s6 =	simm.s32 $0x2000;
	s23 =	sadd.s32 s3, s18;
	[dreg:$0x10] =	wrdreg s1  }
0x12: {  	s13 =	simm.s32 $0xE000;
	s24 =	sadd.s32 $0x10000, s22;
	[dreg:$0x11] =	wrdreg s23  }
0x13: {  	s25 =	sadd.s32 $0x20000, s22;
	s26 =	sadd.s32 $0x30000, s22;
	[dreg:$0x12] =	wrdreg s24  }
0x14: {  	s28 =	sadd.s32 s4, s18;
	s29 =	sadd.s32 $0x10400, s22;
	[dreg:$0x13] =	wrdreg s25  }
0x15: {  	s30 =	sadd.s32 $0x20400, s22;
	s31 =	smax.u32 s5, $0x1;
	[dreg:$0x14] =	wrdreg s26  }
0x16: {  	s3 =	simm.s32 $0x8000;
	s4 =	simm.s32 $0xA000;
	[dreg:$0x15] =	wrdreg s28  }
0x17: {  	s5 =	simm.s32 $0xC000;
	s8 =	simm.s32 $0x5;
	[dreg:$0x16] =	wrdreg s29  }
0x18: {  	s9 =	simm.s32 $0x6;
	s17 =	simm.s32 $0x10;
	[dreg:$0x17] =	wrdreg s30  }
0x19: {  	s18 =	simm.s32 $0x12;
	s0 =	sadd.s32 $0x30400, s22;
	[dreg:$0x19] =	wrdreg s31  }
0x1a: {  	s14 =	simm.s32 $0xC;
	s15 =	simm.s32 $0xD;
	s16 =	simm.s32 $0xE  }
0x1b: {  	s24 =	simm.s32 $0xF;
	s25 =	simm.s32 $0x11;
	s26 =	simm.s32 $0x13  }
0x1c: {  	s19 =	simm.s32 $0x14;
	s20 =	simm.s32 $0x0;
	[dreg:$0x18] =	wrdreg s0  }
.LBB2_1:
0x1d: {  	s0 =	rddreg [dreg:$0x5]  }
0x1e: {  	[tilespmem:s2], [sflag:$0x1] =	stream.linear.gather [hbm4b:s0+s2], $0x2000, $0x38;
	[tilespmem:$0x18000] =	vst v63  }
0x1f: {  	s30 =	rddreg [dreg:$0x6]  }
0x20: {  	[tilespmem:s6], [sflag:$0x2] =	stream.linear.gather [hbm4b:s30+s2], $0x2000, $0x38;
	[tilespmem:$0x18000] =	vst v63  }
0x21: {  	s31 =	rddreg [dreg:$0x7];
	s1 =	simm.s32 $0x4000  }
0x22: {  	[tilespmem:s1], [sflag:$0x3] =	stream.linear.gather [hbm4b:s31+s2], $0x2000, $0x38;
	[tilespmem:$0x18000] =	vst v63  }
0x23: {  	s21 =	rddreg [dreg:$0x8];
	s22 =	simm.s32 $0x6000  }
0x24: {  	[tilespmem:s22], [sflag:$0x4] =	stream.linear.gather [hbm4b:s21+s2], $0x2000, $0x38;
	[tilespmem:$0x18000] =	vst v63  }
0x25: {  	s23 =	rddreg [dreg:$0x9];
	s28 =	simm.s32 $0x10000  }
0x26: {  	[tilespmem:s28], [sflag:$0x9] =	stream.linear.gather [hbm4b:s23+s2], $0x2000, $0x38;
	[tilespmem:$0x18000] =	vst v63  }
0x27: {  	s29 =	rddreg [dreg:$0xa];
	s30 =	simm.s32 $0x12000  }
0x28: {  	[tilespmem:s30], [sflag:$0xA] =	stream.linear.gather [hbm4b:s29+s2], $0x2000, $0x38;
	[tilespmem:$0x18000] =	vst v63  }
0x29: {  	s31 =	rddreg [dreg:$0xb]  }
0x2a: {  	[tilespmem:s3], [sflag:$0x5] =	stream.linear.gather [hbm4b:s31+s2], $0x2000, $0x38;
	[tilespmem:$0x18000] =	vst v63  }
0x2b: {  	s1 =	rddreg [dreg:$0xc]  }
0x2c: {  	[tilespmem:s4], [sflag:$0x6] =	stream.linear.gather [hbm4b:s1+s2], $0x2000, $0x38;
	[tilespmem:$0x18000] =	vst v63  }
0x2d: {  	s3 =	rddreg [dreg:$0xd]  }
0x2e: {  	[tilespmem:s5], [sflag:$0x7] =	stream.linear.gather [hbm4b:s3+s2], $0x2000, $0x38;
	[tilespmem:$0x18000] =	vst v63  }
0x2f: {  	s4 =	rddreg [dreg:$0xe]  }
0x30: {  	[tilespmem:s13], [sflag:$0x8] =	stream.linear.gather [hbm4b:s4+s2], $0x2000, $0x38;
	[tilespmem:$0x18000] =	vst v63  }
0x31: {  	s5 =	rddreg [dreg:$0x10];
	s13 =	simm.s32 $0x14000  }
0x32: {  	[tilespmem:s13], [sflag:$0xB] =	stream.linear.gather [hbm4b:s5+s2], $0x2000, $0x38;
	[tilespmem:$0x18000] =	vst v63  }
0x33: {  	s21 =	rddreg [dreg:$0x11];
	s22 =	simm.s32 $0x16000;
	s23 =	simm.s32 $0x1  }
0x34: {  	[tilespmem:s22], [sflag:$0xC] =	stream.linear.gather [hbm4b:s21+s2], $0x2000, $0x38;
	[tilespmem:$0x18000] =	vst v63  }
0x35: {  	_ =	swait.ge [sflag:s23], $0x2000  }
0x36: {  	[sflag:s23] =	ssyncset.done $0x0  }
0x37: {  	s28 =	simm.s32 $0x2;
	[sflag:s23] =	ssyncadd.s32 $0xFFFFE000  }
0x38: {  	_ =	swait.ge [sflag:s28], $0x2000  }
0x39: {  	[sflag:s28] =	ssyncset.done $0x0  }
0x3a: {  	s29 =	simm.s32 $0x3;
	[sflag:s28] =	ssyncadd.s32 $0xFFFFE000  }
0x3b: {  	_ =	swait.ge [sflag:s29], $0x2000  }
0x3c: {  	[sflag:s29] =	ssyncset.done $0x0  }
0x3d: {  	s30 =	simm.s32 $0x4;
	[sflag:s29] =	ssyncadd.s32 $0xFFFFE000  }
0x3e: {  	_ =	swait.ge [sflag:s30], $0x2000  }
0x3f: {  	[sflag:s30] =	ssyncset.done $0x0  }
0x40: {  	s31 =	simm.s32 $0x9;
	[sflag:s30] =	ssyncadd.s32 $0xFFFFE000  }
0x41: {  	_ =	swait.ge [sflag:s31], $0x2000  }
0x42: {  	[sflag:s31] =	ssyncset.done $0x0  }
0x43: {  	[sflag:s31] =	ssyncadd.s32 $0xFFFFE000  }
0x44: {  	_ =	swait.ge [sflag:s7], $0x2000  }
0x45: {  	[sflag:s7] =	ssyncset.done $0x0  }
0x46: {  	s21 =	simm.s32 $0x0;
	[sflag:s7] =	ssyncadd.s32 $0xFFFFE000  }
.LBB2_2:
0x47: {  	s0 =	simm.s32 $0x0  }
0x48: {  	s30 =	sshll.u32 s21, $0x7;
	s1 =	sand.u32 $0x60, s0  }
0x49: {  	s0 =	sand.u32 $0x1C00, s0;
	s3 =	sor.u32 s30, s1  }
0x4a: {  	s3 =	sor.u32 s0, s3  }
0x4b: {  	v0 =	vld [tilespmem:s3+$0x10000]  }
0x4c: {  	v1 =	vld [tilespmem:s3+$0x4000]  }
0x4d: {  	v2 =	vld [tilespmem:s3+$0x12000]  }
0x4e: {  	v3 =	vld [tilespmem:s3+$0x6000]  }
0x4f: {  	v4 =	vld [tilespmem:s3+$0x0]  }
0x50: {  	v5 =	vld [tilespmem:s3+$0x2000];
	_ =	sdelay $0x1  }
0x51: {  	v1 =	vmul.f32 v1, v2  }
0x52: {  	v3 =	vmul.f32 v3, v2  }
0x53: {  	v4 =	vmul.f32 v4, v2;
	v1 =	vadd.f32 v1, v0  }
0x54: {  	v2 =	vmul.f32 v5, v2;
	v3 =	vadd.f32 v3, v0  }
0x55: {  	v4 =	vadd.f32 v4, v0;
	[tilespmem:s3+$0x4000] =	vst v1  }
0x56: {  	s22 =	sor.u32 $0x10, s30;
	v0 =	vadd.f32 v2, v0;
	[tilespmem:s3+$0x6000] =	vst v3  }
0x57: {  	s1 =	sor.u32 s22, s1;
	[tilespmem:s3+$0x0] =	vst v4  }
0x58: {  	s28 =	sor.u32 s0, s1;
	[tilespmem:s3+$0x2000] =	vst v0  }
0x59: {  	v0 =	vld [tilespmem:s28+$0x12000]  }
0x5a: {  	v1 =	vld [tilespmem:s28+$0x0]  }
0x5b: {  	v2 =	vld [tilespmem:s28+$0x2000]  }
0x5c: {  	v3 =	vld [tilespmem:s28+$0x4000]  }
0x5d: {  	v4 =	vld [tilespmem:s28+$0x10000]  }
0x5e: {  	v63 =	vld [tilespmem:s28+$0x6000];
	_ =	sdelay $0x1  }
0x5f: {  	v2 =	vmul.f32 v2, v0  }
0x60: {  	v1 =	vmul.f32 v1, v0  }
0x61: {  	s1 =	simm.s32 $0x20;
	v3 =	vmul.f32 v3, v0;
	v2 =	vadd.f32 v2, v4  }
0x62: {  	s23 =	sand.u32 $0x60, s1;
	s3 =	simm.s32 $0x100;
	v5 =	vmul.f32 v63, v0;
	v1 =	vadd.f32 v1, v4  }
0x63: {  	s29 =	sor.u32 s30, s23;
	s31 =	sand.u32 $0x1C00, s3;
	v0 =	vadd.f32 v3, v4;
	[tilespmem:s28+$0x2000] =	vst v2  }
0x64: {  	s13 =	simm.s32 $0x2;
	s23 =	sor.u32 s22, s23;
	s0 =	sor.u32 s31, s29;
	[tilespmem:s28+$0x0] =	vst v1;
	v1 =	vadd.f32 v5, v4  }
.LBB2_3:
0x65: {  	s13 =	sadd.s32 $0x2, s13;
	s3 =	sadd.s32 $0x100, s3;
	s1 =	sadd.s32 $0x20, s1;
	[tilespmem:s28+$0x4000] =	vst v0  }
0x66: {  	p0 =	slt.u32 s13, $0x3E;
	[tilespmem:s28+$0x6000] =	vst v1  }
0x67: {  	v0 =	vld [tilespmem:s0+$0x10000]  }
0x68: {  	v1 =	vld [tilespmem:s0+$0x4000]  }
0x69: {  	v2 =	vld [tilespmem:s0+$0x0]  }
0x6a: {  	v3 =	vld [tilespmem:s0+$0x12000]  }
0x6b: {  	v4 =	vld [tilespmem:s0+$0x6000]  }
0x6c: {  	v5 =	vld [tilespmem:s0+$0x2000];
	_ =	sdelay $0x1  }
0x6d: {  	s28 =	sand.u32 $0x60, s1  }
0x6e: {  	s29 =	sand.u32 $0x1C00, s3;
	s4 =	sor.u32 s30, s28;
	s5 =	sor.u32 s22, s28;
	v2 =	vmul.f32 v2, v3;
	v1 =	vmul.f32 v1, v3  }
0x6f: {  	s4 =	sor.u32 s29, s4;
	v4 =	vmul.f32 v4, v3  }
0x70: {  	v2 =	vadd.f32 v2, v0;
	v3 =	vmul.f32 v5, v3;
	v1 =	vadd.f32 v1, v0  }
0x71: {  	v4 =	vadd.f32 v4, v0  }
0x72: {  	v0 =	vadd.f32 v3, v0;
	[tilespmem:s0+$0x4000] =	vst v1  }
0x73: {  	[tilespmem:s0+$0x6000] =	vst v4  }
0x74: {  	[tilespmem:s0+$0x0] =	vst v2  }
0x75: {  	s28 =	sor.u32 s31, s23;
	s31 =	smov.u32 s29;
	s23 =	smov.u32 s5;
	[tilespmem:s0+$0x2000] =	vst v0  }
0x76: {  	s0 =	smov.u32 s4;
	v1 =	vld [tilespmem:s28+$0x12000]  }
0x77: {  	v0 =	vld [tilespmem:s28+$0x0]  }
0x78: {  	v2 =	vld [tilespmem:s28+$0x2000]  }
0x79: {  	v3 =	vld [tilespmem:s28+$0x4000]  }
0x7a: {  	v4 =	vld [tilespmem:s28+$0x10000]  }
0x7b: {  	v5 =	vld [tilespmem:s28+$0x6000]  }
0x7c: {  	v0 =	vmul.f32 v0, v1  }
0x7d: {  	v2 =	vmul.f32 v2, v1  }
.Ltmp0:
0x7e: {  	v3 =	vmul.f32 v3, v1;
	(pc) =	sbr.rel @p0 .LBB2_3-.Ltmp0, $4  }
0x7f: {  	v6 =	vadd.f32 v0, v4;
	v2 =	vadd.f32 v2, v4  }
0x80: {  	v0 =	vadd.f32 v3, v4;
	v1 =	vmul.f32 v5, v1  }
0x81: {  	[tilespmem:s28+$0x2000] =	vst v2  }
0x82: {  	[tilespmem:s28+$0x0] =	vst v6;
	v1 =	vadd.f32 v1, v4  }
0x83: {  	[tilespmem:s28+$0x4000] =	vst v0  }
0x84: {  	[tilespmem:s28+$0x6000] =	vst v1  }
0x85: {  	v0 =	vld [tilespmem:s0+$0x10000]  }
0x86: {  	v1 =	vld [tilespmem:s0+$0x4000]  }
0x87: {  	v2 =	vld [tilespmem:s0+$0x12000]  }
0x88: {  	v3 =	vld [tilespmem:s0+$0x6000]  }
0x89: {  	v4 =	vld [tilespmem:s0+$0x0]  }
0x8a: {  	v5 =	vld [tilespmem:s0+$0x2000];
	_ =	sdelay $0x1  }
0x8b: {  	v1 =	vmul.f32 v1, v2  }
0x8c: {  	v3 =	vmul.f32 v3, v2  }
0x8d: {  	v4 =	vmul.f32 v4, v2;
	v1 =	vadd.f32 v1, v0  }
0x8e: {  	v2 =	vmul.f32 v5, v2;
	v3 =	vadd.f32 v3, v0  }
0x8f: {  	v4 =	vadd.f32 v4, v0;
	[tilespmem:s0+$0x4000] =	vst v1  }
0x90: {  	v0 =	vadd.f32 v2, v0;
	[tilespmem:s0+$0x6000] =	vst v3  }
0x91: {  	[tilespmem:s0+$0x0] =	vst v4  }
0x92: {  	s31 =	sor.u32 s31, s23;
	[tilespmem:s0+$0x2000] =	vst v0  }
0x93: {  	v0 =	vld [tilespmem:s31+$0x12000]  }
0x94: {  	v1 =	vld [tilespmem:s31+$0x0]  }
0x95: {  	v62 =	vld [tilespmem:s31+$0x2000]  }
0x96: {  	v3 =	vld [tilespmem:s31+$0x4000]  }
0x97: {  	v4 =	vld [tilespmem:s31+$0x10000]  }
0x98: {  	v63 =	vld [tilespmem:s31+$0x6000];
	_ =	sdelay $0x1  }
0x99: {  	v2 =	vmul.f32 v62, v0  }
0x9a: {  	s21 =	sadd.s32 $0x1, s21;
	v1 =	vmul.f32 v1, v0  }
0x9b: {  	p0 =	sne.s32 s21, $0x8;
	v3 =	vmul.f32 v3, v0;
	v2 =	vadd.f32 v2, v4  }
.Ltmp1:
0x9c: {  	v0 =	vmul.f32 v63, v0;
	v1 =	vadd.f32 v1, v4;
	(pc) =	sbr.rel @p0 .LBB2_2-.Ltmp1, $4  }
0x9d: {  	v3 =	vadd.f32 v3, v4;
	[tilespmem:s31+$0x2000] =	vst v2  }
0x9e: {  	v0 =	vadd.f32 v0, v4;
	[tilespmem:s31+$0x0] =	vst v1  }
0x9f: {  	[tilespmem:s31+$0x4000] =	vst v3  }
0xa0: {  	[tilespmem:s31+$0x6000] =	vst v0  }
0xa1: {  	s21 =	simm.s32 $0x0;
	s0 =	rddreg [dreg:$0xf]  }
0xa2: {  	[hbm4b:s0+s21] =	stream.linear.scatter [tilespmem:s21], [sflag:$0xD], $0x2000, $0x38;
	[tilespmem:$0x18000] =	vst v63  }
0xa3: {  	s23 =	rddreg [dreg:$0x12]  }
0xa4: {  	[hbm4b:s23+s21] =	stream.linear.scatter [tilespmem:s6], [sflag:$0xE], $0x2000, $0x38;
	[tilespmem:$0x18000] =	vst v63  }
0xa5: {  	s28 =	rddreg [dreg:$0x13];
	s1 =	simm.s32 $0x4000  }
0xa6: {  	[hbm4b:s28+s21] =	stream.linear.scatter [tilespmem:s1], [sflag:$0xF], $0x2000, $0x38;
	[tilespmem:$0x18000] =	vst v63  }
0xa7: {  	s29 =	rddreg [dreg:$0x14];
	s31 =	simm.s32 $0x6000  }
0xa8: {  	[hbm4b:s29+s21] =	stream.linear.scatter [tilespmem:s31], [sflag:$0x10], $0x2000, $0x38;
	[tilespmem:$0x18000] =	vst v63  }
0xa9: {  	_ =	swait.ge [sflag:s8], $0x2000  }
0xaa: {  	[sflag:s8] =	ssyncset.done $0x0  }
0xab: {  	[sflag:s8] =	ssyncadd.s32 $0xFFFFE000  }
0xac: {  	_ =	swait.ge [sflag:s9], $0x2000  }
0xad: {  	[sflag:s9] =	ssyncset.done $0x0  }
0xae: {  	[sflag:s9] =	ssyncadd.s32 $0xFFFFE000  }
0xaf: {  	_ =	swait.ge [sflag:s10], $0x2000  }
0xb0: {  	[sflag:s10] =	ssyncset.done $0x0  }
0xb1: {  	[sflag:s10] =	ssyncadd.s32 $0xFFFFE000  }
0xb2: {  	_ =	swait.ge [sflag:s11], $0x2000  }
0xb3: {  	[sflag:s11] =	ssyncset.done $0x0  }
0xb4: {  	[sflag:s11] =	ssyncadd.s32 $0xFFFFE000  }
0xb5: {  	_ =	swait.ge [sflag:s12], $0x2000  }
0xb6: {  	[sflag:s12] =	ssyncset.done $0x0  }
0xb7: {  	[sflag:s12] =	ssyncadd.s32 $0xFFFFE000  }
0xb8: {  	_ =	swait.ge [sflag:s14], $0x2000  }
0xb9: {  	[sflag:s14] =	ssyncset.done $0x0  }
0xba: {  	s30 =	simm.s32 $0x0;
	[sflag:s14] =	ssyncadd.s32 $0xFFFFE000  }
.LBB2_6:
0xbb: {  	s22 =	sshll.u32 s30, $0x7;
	s0 =	sand.u32 $0x60, s21  }
0xbc: {  	s1 =	sand.u32 $0x1C00, s21;
	s3 =	sor.u32 s22, s0  }
0xbd: {  	s3 =	sor.u32 s1, s3  }
0xbe: {  	v0 =	vld [tilespmem:s3+$0x14000]  }
0xbf: {  	v1 =	vld [tilespmem:s3+$0xC000]  }
0xc0: {  	v2 =	vld [tilespmem:s3+$0x16000]  }
0xc1: {  	v3 =	vld [tilespmem:s3+$0xE000]  }
0xc2: {  	v4 =	vld [tilespmem:s3+$0x8000]  }
0xc3: {  	v5 =	vld [tilespmem:s3+$0xA000];
	_ =	sdelay $0x1  }
0xc4: {  	v1 =	vmul.f32 v1, v2  }
0xc5: {  	v3 =	vmul.f32 v3, v2  }
0xc6: {  	v4 =	vmul.f32 v4, v2;
	v1 =	vadd.f32 v1, v0  }
0xc7: {  	v2 =	vmul.f32 v5, v2;
	v3 =	vadd.f32 v3, v0  }
0xc8: {  	v4 =	vadd.f32 v4, v0;
	[tilespmem:s3+$0xC000] =	vst v1  }
0xc9: {  	s31 =	sor.u32 $0x10, s22;
	v0 =	vadd.f32 v2, v0;
	[tilespmem:s3+$0xE000] =	vst v3  }
0xca: {  	s0 =	sor.u32 s31, s0;
	[tilespmem:s3+$0x8000] =	vst v4  }
0xcb: {  	s29 =	sor.u32 s1, s0;
	[tilespmem:s3+$0xA000] =	vst v0  }
0xcc: {  	v0 =	vld [tilespmem:s29+$0x16000]  }
0xcd: {  	v1 =	vld [tilespmem:s29+$0x8000]  }
0xce: {  	v2 =	vld [tilespmem:s29+$0xA000]  }
0xcf: {  	v3 =	vld [tilespmem:s29+$0xC000]  }
0xd0: {  	v4 =	vld [tilespmem:s29+$0x14000]  }
0xd1: {  	v63 =	vld [tilespmem:s29+$0xE000];
	_ =	sdelay $0x1  }
0xd2: {  	v2 =	vmul.f32 v2, v0  }
0xd3: {  	v1 =	vmul.f32 v1, v0  }
0xd4: {  	s3 =	simm.s32 $0x20;
	v3 =	vmul.f32 v3, v0;
	v2 =	vadd.f32 v2, v4  }
0xd5: {  	s13 =	simm.s32 $0x100;
	s5 =	sand.u32 $0x60, s3;
	v5 =	vmul.f32 v63, v0;
	v1 =	vadd.f32 v1, v4  }
0xd6: {  	s23 =	sand.u32 $0x1C00, s13;
	s6 =	sor.u32 s22, s5;
	v0 =	vadd.f32 v3, v4;
	[tilespmem:s29+$0xA000] =	vst v2  }
0xd7: {  	s28 =	simm.s32 $0x2;
	s0 =	sor.u32 s31, s5;
	s1 =	sor.u32 s23, s6;
	[tilespmem:s29+$0x8000] =	vst v1;
	v1 =	vadd.f32 v5, v4  }
.LBB2_7:
0xd8: {  	s28 =	sadd.s32 $0x2, s28;
	s13 =	sadd.s32 $0x100, s13;
	s3 =	sadd.s32 $0x20, s3;
	[tilespmem:s29+$0xC000] =	vst v0  }
0xd9: {  	p0 =	slt.u32 s28, $0x3E;
	[tilespmem:s29+$0xE000] =	vst v1  }
0xda: {  	v0 =	vld [tilespmem:s1+$0x14000]  }
0xdb: {  	v1 =	vld [tilespmem:s1+$0xC000]  }
0xdc: {  	v2 =	vld [tilespmem:s1+$0x8000]  }
0xdd: {  	v3 =	vld [tilespmem:s1+$0x16000]  }
0xde: {  	v4 =	vld [tilespmem:s1+$0xE000]  }
0xdf: {  	v5 =	vld [tilespmem:s1+$0xA000];
	_ =	sdelay $0x1  }
0xe0: {  	s4 =	sand.u32 $0x60, s3  }
0xe1: {  	s5 =	sand.u32 $0x1C00, s13;
	s29 =	sor.u32 s22, s4;
	s4 =	sor.u32 s31, s4;
	v2 =	vmul.f32 v2, v3;
	v1 =	vmul.f32 v1, v3  }
0xe2: {  	s6 =	sor.u32 s5, s29;
	v4 =	vmul.f32 v4, v3  }
0xe3: {  	v2 =	vadd.f32 v2, v0;
	v3 =	vmul.f32 v5, v3;
	v1 =	vadd.f32 v1, v0  }
0xe4: {  	v4 =	vadd.f32 v4, v0  }
0xe5: {  	v0 =	vadd.f32 v3, v0;
	[tilespmem:s1+$0xC000] =	vst v1  }
0xe6: {  	[tilespmem:s1+$0xE000] =	vst v4  }
0xe7: {  	[tilespmem:s1+$0x8000] =	vst v2  }
0xe8: {  	s29 =	sor.u32 s23, s0;
	s23 =	smov.u32 s5;
	s0 =	smov.u32 s4;
	[tilespmem:s1+$0xA000] =	vst v0  }
0xe9: {  	s1 =	smov.u32 s6;
	v1 =	vld [tilespmem:s29+$0x16000]  }
0xea: {  	v0 =	vld [tilespmem:s29+$0x8000]  }
0xeb: {  	v2 =	vld [tilespmem:s29+$0xA000]  }
0xec: {  	v3 =	vld [tilespmem:s29+$0xC000]  }
0xed: {  	v4 =	vld [tilespmem:s29+$0x14000]  }
0xee: {  	v5 =	vld [tilespmem:s29+$0xE000]  }
0xef: {  	v0 =	vmul.f32 v0, v1  }
0xf0: {  	v2 =	vmul.f32 v2, v1  }
.Ltmp2:
0xf1: {  	v3 =	vmul.f32 v3, v1;
	(pc) =	sbr.rel @p0 .LBB2_7-.Ltmp2, $4  }
0xf2: {  	v6 =	vadd.f32 v0, v4;
	v2 =	vadd.f32 v2, v4  }
0xf3: {  	v0 =	vadd.f32 v3, v4;
	v1 =	vmul.f32 v5, v1  }
0xf4: {  	[tilespmem:s29+$0xA000] =	vst v2  }
0xf5: {  	[tilespmem:s29+$0x8000] =	vst v6;
	v1 =	vadd.f32 v1, v4  }
0xf6: {  	[tilespmem:s29+$0xC000] =	vst v0  }
0xf7: {  	[tilespmem:s29+$0xE000] =	vst v1  }
0xf8: {  	v0 =	vld [tilespmem:s1+$0x14000]  }
0xf9: {  	v1 =	vld [tilespmem:s1+$0xC000]  }
0xfa: {  	v2 =	vld [tilespmem:s1+$0x16000]  }
0xfb: {  	v3 =	vld [tilespmem:s1+$0xE000]  }
0xfc: {  	v4 =	vld [tilespmem:s1+$0x8000]  }
0xfd: {  	v5 =	vld [tilespmem:s1+$0xA000];
	_ =	sdelay $0x1  }
0xfe: {  	v1 =	vmul.f32 v1, v2  }
0xff: {  	v3 =	vmul.f32 v3, v2  }
0x100: {  	v4 =	vmul.f32 v4, v2;
	v1 =	vadd.f32 v1, v0  }
0x101: {  	v2 =	vmul.f32 v5, v2;
	v3 =	vadd.f32 v3, v0  }
0x102: {  	v4 =	vadd.f32 v4, v0;
	[tilespmem:s1+$0xC000] =	vst v1  }
0x103: {  	v0 =	vadd.f32 v2, v0;
	[tilespmem:s1+$0xE000] =	vst v3  }
0x104: {  	[tilespmem:s1+$0x8000] =	vst v4  }
0x105: {  	s0 =	sor.u32 s23, s0;
	[tilespmem:s1+$0xA000] =	vst v0  }
0x106: {  	v0 =	vld [tilespmem:s0+$0x16000]  }
0x107: {  	v1 =	vld [tilespmem:s0+$0x8000]  }
0x108: {  	v62 =	vld [tilespmem:s0+$0xA000]  }
0x109: {  	v3 =	vld [tilespmem:s0+$0xC000]  }
0x10a: {  	v4 =	vld [tilespmem:s0+$0x14000]  }
0x10b: {  	v63 =	vld [tilespmem:s0+$0xE000];
	_ =	sdelay $0x1  }
0x10c: {  	v2 =	vmul.f32 v62, v0  }
0x10d: {  	s30 =	sadd.s32 $0x1, s30;
	v1 =	vmul.f32 v1, v0  }
0x10e: {  	p0 =	sne.s32 s30, $0x8;
	v3 =	vmul.f32 v3, v0;
	v2 =	vadd.f32 v2, v4  }
.Ltmp3:
0x10f: {  	v0 =	vmul.f32 v63, v0;
	v1 =	vadd.f32 v1, v4;
	(pc) =	sbr.rel @p0 .LBB2_6-.Ltmp3, $4  }
0x110: {  	v3 =	vadd.f32 v3, v4;
	[tilespmem:s0+$0xA000] =	vst v2  }
0x111: {  	v0 =	vadd.f32 v0, v4;
	[tilespmem:s0+$0x8000] =	vst v1  }
0x112: {  	[tilespmem:s0+$0xC000] =	vst v3  }
0x113: {  	[tilespmem:s0+$0xE000] =	vst v0  }
0x114: {  	s0 =	rddreg [dreg:$0x15];
	s3 =	simm.s32 $0x8000  }
0x115: {  	[hbm4b:s0+s2] =	stream.linear.scatter [tilespmem:s3], [sflag:$0x11], $0x2000, $0x38;
	[tilespmem:$0x18000] =	vst v63  }
0x116: {  	s28 =	rddreg [dreg:$0x16];
	s4 =	simm.s32 $0xA000  }
0x117: {  	[hbm4b:s28+s2] =	stream.linear.scatter [tilespmem:s4], [sflag:$0x12], $0x2000, $0x38;
	[tilespmem:$0x18000] =	vst v63  }
0x118: {  	s29 =	rddreg [dreg:$0x17];
	s5 =	simm.s32 $0xC000  }
0x119: {  	[hbm4b:s29+s2] =	stream.linear.scatter [tilespmem:s5], [sflag:$0x13], $0x2000, $0x38;
	[tilespmem:$0x18000] =	vst v63  }
0x11a: {  	s30 =	rddreg [dreg:$0x18];
	s13 =	simm.s32 $0xE000  }
0x11b: {  	[hbm4b:s30+s2] =	stream.linear.scatter [tilespmem:s13], [sflag:$0x14], $0x2000, $0x38;
	[tilespmem:$0x18000] =	vst v63  }
0x11c: {  	_ =	swait.ge [sflag:s15], $0x2000  }
0x11d: {  	[sflag:s15] =	ssyncset.done $0x0  }
0x11e: {  	[sflag:s15] =	ssyncadd.s32 $0xFFFFE000  }
0x11f: {  	_ =	swait.ge [sflag:s16], $0x2000  }
0x120: {  	[sflag:s16] =	ssyncset.done $0x0  }
0x121: {  	[sflag:s16] =	ssyncadd.s32 $0xFFFFE000  }
0x122: {  	_ =	swait.ge [sflag:s24], $0x2000  }
0x123: {  	[sflag:s24] =	ssyncset.done $0x0  }
0x124: {  	[sflag:s24] =	ssyncadd.s32 $0xFFFFE000  }
0x125: {  	_ =	swait.ge [sflag:s17], $0x2000  }
0x126: {  	[sflag:s17] =	ssyncset.done $0x0  }
0x127: {  	[sflag:s17] =	ssyncadd.s32 $0xFFFFE000  }
0x128: {  	_ =	swait.ge [sflag:s25], $0x2000  }
0x129: {  	[sflag:s25] =	ssyncset.done $0x0  }
0x12a: {  	[sflag:s25] =	ssyncadd.s32 $0xFFFFE000  }
0x12b: {  	_ =	swait.ge [sflag:s18], $0x2000  }
0x12c: {  	[sflag:s18] =	ssyncset.done $0x0  }
0x12d: {  	[sflag:s18] =	ssyncadd.s32 $0xFFFFE000  }
0x12e: {  	_ =	swait.ge [sflag:s26], $0x2000  }
0x12f: {  	[sflag:s26] =	ssyncset.done $0x0  }
0x130: {  	[sflag:s26] =	ssyncadd.s32 $0xFFFFE000  }
0x131: {  	_ =	swait.ge [sflag:s19], $0x2000  }
0x132: {  	s20 =	sadd.s32 $0x1, s20;
	s31 =	rddreg [dreg:$0x19]  }
0x133: {  	p0 =	sne.s32 s20, s31  }
.Ltmp4:
0x134: {  	_ = 	snop;
	(pc) =	sbr.rel @p0 .LBB2_1-.Ltmp4, $3  }
0x135: {  	_ =	sdelay $0x1  }
0x136: {  	[sflag:s19] =	ssyncset.done $0x0  }
0x137: {  	s6 =	simm.s32 $0x2000;
	[sflag:s19] =	ssyncadd.s32 $0xFFFFE000  }
0x138: {  	_ =	sfence.sel $0x180000  }
0x139: {  	[bflag:$0x0] =	sbarrier.arrive $0xFFFF  }
0x13a: {  	_ =	strace $0x90000047  }
0x13b: {  	s0 =	stileid.u32;
	[bflag:$0x2] =	sbarrier.arrive $0xFFFF  }
0x13c: {  	p0 =	sne.s32 s0, $0x0;
	s0 =	rddreg [dreg:$0x4]  }
0x13d: {  	s0 =	sadd.s32 @!p0 $0x100000, s0  }
0x13e: {  	[sflag:s0] =	ssyncadd.tile.s32 @!p0 $0x1;
	_ =	shalt  }
.Lfunc_end2:
_tile_overlayer_lowered:
.L_overlay_start_2:
0x13f: {  	(tag) =	ssettag $0x2  }
0x140: {  	s0 =	rddreg [dreg:$0x0];
	s2 =	stileid.u32  }
0x141: {  	s1 =	rddreg [dreg:$0x1];
	p0 =	sne.s32 s2, $0x0  }
0x142: {  	s3 =	rddreg [dreg:$0x2];
	[bflag:$0x3] =	sbarrier.arrive $0xFFFF;
	s2 =	simm.s32 @!p0 $0x1C15  }
0x143: {  	[timem:s3], [sflag:s2] =	dma.local @!p0 [hbm:s0], s1  }
0x144: {  	s0 =	simm.s32 @!p0 $0x15  }
0x145: {  	_ =	swait.ge @!p0 [sflag:s0], s1  }
0x146: {  	s1 =	ssub.s32 @!p0 $0x0, s1;
	[sflag:s0] =	ssyncset.done @!p0 $0x0  }
0x147: {  	[sflag:s0] =	ssyncadd.s32 @!p0 s1  }
0x148: {  	[bflag:$0x3] =	sbarrier.arrive $0xFFFF  }
0x149: {  	_ =	shalt  }

</sc_bundles>
